<compile_context>
chip_gen: v7x
topology: tpu7x:2x2x1
jax: 0.10.2.dev20260603
libtpu: 0.0.44.dev20260713+nightly
codegen_flags: <defaults>
</compile_context>

<pallas_src>
import functools

import jax
import jax.numpy as jnp
from jax import lax
from jax.experimental import pallas as pl
from jax.experimental.pallas import tpu as pltpu
from jax.experimental.pallas import tpu_sc as plsc

NG = 52
NS = NG * NG
NB = 32
NA = 3
NCH = 86
NCHA = NA * NCH
NCLS = 80
NT = 256
NEXC = 4 * NT
NCELL = NB * NA * NS
STRIDE = 416.0 / NG
IMG = 416.0
THR = 0.5
NO_OBJ_W = 10.0


def _prep_body(tg_ref, anc_ref, bun_ref, winx_ref, cidx_ref, sidx_ref):
    tg = tg_ref[...]
    bi = tg[:, 0:1].astype(jnp.int32)
    cx = tg[:, 1:2] * NG
    cy = tg[:, 2:3] * NG
    tw = tg[:, 3:4]
    th = tg[:, 4:5]
    istop = tg[:, 5:6]
    ci = cx.astype(jnp.int32)
    cj = cy.astype(jnp.int32)
    a00, a01 = anc_ref[0, 0], anc_ref[0, 1]
    a10, a11 = anc_ref[1, 0], anc_ref[1, 1]
    a20, a21 = anc_ref[2, 0], anc_ref[2, 1]

    def iou(aw, ah):
        inter = jnp.minimum(aw, tw) * jnp.minimum(ah, th)
        union = tw * th + aw * ah - inter + 1e-16
        return inter / union

    i0, i1, i2 = iou(a00, a01), iou(a10, a11), iou(a20, a21)
    best_a = jnp.where(i0 >= i1, jnp.where(i0 >= i2, 0, 2),
                       jnp.where(i1 >= i2, 1, 2)).astype(jnp.int32)
    spat = cj * NG + ci
    rowid = (bi * NA + best_a) * NS + spat
    tix = lax.broadcasted_iota(jnp.int32, (NT, NT), 0)
    kix = lax.broadcasted_iota(jnp.int32, (NT, NT), 1)
    eq = rowid == rowid.T
    winner = ~jnp.any(eq & (kix > tix), axis=1, keepdims=True)
    topk = (istop > 0.5).T
    any_top = jnp.any(eq & topk, axis=1, keepdims=True)
    any_bot = jnp.any(eq & ~topk, axis=1, keepdims=True)
    tx = cx - jnp.floor(cx)
    ty = cy - jnp.floor(cy)
    aw_b = jnp.where(best_a == 0, a00, jnp.where(best_a == 1, a10, a20))
    ah_b = jnp.where(best_a == 0, a01, jnp.where(best_a == 1, a11, a21))
    twl = jnp.log(tw / aw_b + 1e-16)
    thl = jnp.log(th / ah_b + 1e-16)
    zero = jnp.zeros((NT, 1), jnp.float32)
    bun = jnp.concatenate([
        winner.astype(jnp.float32), any_top.astype(jnp.float32),
        any_bot.astype(jnp.float32), tx, ty, twl, thl,
        (bi % 8).astype(jnp.float32), best_a.astype(jnp.float32),
        zero, zero, zero, zero, zero, zero, zero], axis=1)
    bun_ref[...] = bun
    base = bi * NA * NS + spat
    d0 = base + 0 * NS
    d1 = base + 1 * NS
    d2 = base + 2 * NS
    idall = jnp.concatenate([rowid, d0, d1, d2], axis=0)
    actall = jnp.concatenate(
        [jnp.ones((NT, 1), jnp.bool_), i0 > THR, i1 > THR, i2 > THR], axis=0)
    tix1 = lax.broadcasted_iota(jnp.int32, (NEXC, NEXC), 0)
    kix1 = lax.broadcasted_iota(jnp.int32, (NEXC, NEXC), 1)
    eq1 = (idall == idall.T) & actall & actall.T & (kix1 < tix1)
    winx = actall & ~jnp.any(eq1, axis=1, keepdims=True)
    winx_ref[...] = winx.astype(jnp.float32)
    cidx_ref[...] = jnp.where(actall, idall, 0)
    sidx_ref[...] = jnp.concatenate([spat, bi // 8], axis=1)


def _prep(target, anchors):
    return pl.pallas_call(
        _prep_body,
        in_specs=[
            pl.BlockSpec((NT, NCH), lambda: (0, 0)),
            pl.BlockSpec(memory_space=pltpu.SMEM),
        ],
        out_specs=[
            pl.BlockSpec((NT, 16), lambda: (0, 0)),
            pl.BlockSpec((NEXC, 1), lambda: (0, 0)),
            pl.BlockSpec((NEXC, 1), lambda: (0, 0)),
            pl.BlockSpec((NT, 2), lambda: (0, 0)),
        ],
        out_shape=[
            jax.ShapeDtypeStruct((NT, 16), jnp.float32),
            jax.ShapeDtypeStruct((NEXC, 1), jnp.float32),
            jax.ShapeDtypeStruct((NEXC, 1), jnp.int32),
            jax.ShapeDtypeStruct((NT, 2), jnp.int32),
        ],
    )(target, anchors)


_SC_NSUB = 16
_SC_IDX = NEXC // _SC_NSUB


def _sc_confgather_body(idx_hbm, x_hbm, out_hbm, idx_v, dst_v, sem):
    tid = lax.axis_index("s")
    pltpu.sync_copy(idx_hbm.at[pl.ds(tid * _SC_IDX, _SC_IDX)], idx_v)
    pltpu.async_copy(x_hbm.at[idx_v], dst_v, sem).wait()
    pltpu.sync_copy(dst_v, out_hbm.at[pl.ds(tid * _SC_IDX, _SC_IDX)])


@functools.lru_cache(maxsize=None)
def _sc_confgather_fn():
    return pl.kernel(
        _sc_confgather_body,
        out_type=jax.ShapeDtypeStruct((NEXC,), jnp.float32),
        mesh=plsc.VectorSubcoreMesh(
            core_axis_name="c", subcore_axis_name="s", num_cores=1),
        scratch_types=[
            pltpu.VMEM((_SC_IDX,), jnp.int32),
            pltpu.VMEM((_SC_IDX,), jnp.float32),
            pltpu.SemaphoreType.DMA,
        ],
        compiler_params=pltpu.CompilerParams(use_tc_tiling_on_sc=False),
    )


def _dense_body(x_ref, anc_ref, out_ref, cf_ref, acc_ref):
    b = pl.program_id(0)
    X = x_ref[0]
    s_iota = lax.broadcasted_iota(jnp.int32, (1, NS), 1)
    gx = (s_iota % NG).astype(jnp.float32)
    gy = (s_iota // NG).astype(jnp.float32)
    cidx = lax.broadcasted_iota(jnp.int32, (NCH, 1), 0)
    pieces = []
    nsum = 0.0
    for a in range(NA):
        Xa = X[a * NCH:(a + 1) * NCH, :]
        Sa = 1.0 / (1.0 + jnp.exp(-Xa))
        Ea = jnp.exp(Xa)
        aw = anc_ref[a, 0]
        ah = anc_ref[a, 1]
        anc = jnp.where(cidx == 2, aw, ah)
        ya = jnp.where(cidx == 0, (gx + Sa) * STRIDE,
             jnp.where(cidx == 1, (gy + Sa) * STRIDE,
             jnp.where(cidx < 4, anc * IMG * Ea, Sa)))
        pieces.append(ya)
        p4 = Sa[4:5, :]
        term = -jnp.maximum(jnp.log(1.0 - p4), -100.0)
        nsum += jnp.sum(term)
    out_ref[...] = jnp.concatenate(pieces, axis=1).reshape(1, NCH, NA * NS)
    cf_ref[...] = jnp.concatenate(
        [X[a * NCH + 4:a * NCH + 5, :] for a in range(NA)],
        axis=1).reshape(1, 1, NA * NS)

    @pl.when(b == 0)
    def _():
        acc_ref[0, 0] = 0.0

    acc_ref[0, 0] += nsum


def _dense(x3, anchors):
    return pl.pallas_call(
        _dense_body,
        grid=(NB,),
        in_specs=[
            pl.BlockSpec((1, NCHA, NS), lambda b: (b, 0, 0)),
            pl.BlockSpec(memory_space=pltpu.SMEM),
        ],
        out_specs=[
            pl.BlockSpec((1, NCH, NA * NS), lambda b: (b, 0, 0)),
            pl.BlockSpec((1, 1, NA * NS), lambda b: (b, 0, 0)),
            pl.BlockSpec(memory_space=pltpu.SMEM),
        ],
        out_shape=[
            jax.ShapeDtypeStruct((NB, NCH, NA * NS), jnp.float32),
            jax.ShapeDtypeStruct((NB, 1, NA * NS), jnp.float32),
            jax.ShapeDtypeStruct((1, 1), jnp.float32),
        ],
    )(x3, anchors)


_GB = 8


def _gather_body(sidx_ref, *refs):
    g_ref = refs[_GB]
    for j in range(_GB):
        g_ref[j] = refs[j][0]


def _gather(sidx, xt):
    def mk(j):
        return pl.BlockSpec(
            (1, 8, NCHA), lambda t, s, j=j: (s[t * _GB + j, 0],
                                             s[t * _GB + j, 1], 0))

    return pl.pallas_call(
        _gather_body,
        grid_spec=pltpu.PrefetchScalarGridSpec(
            num_scalar_prefetch=1,
            grid=(NT // _GB,),
            in_specs=[mk(j) for j in range(_GB)],
            out_specs=pl.BlockSpec((_GB, 8, NCHA), lambda t, s: (t, 0, 0)),
        ),
        out_shape=jax.ShapeDtypeStruct((NT, 8, NCHA), jnp.float32),
    )(sidx, *([xt] * _GB))


def _final_body(g_ref, bun_ref, tg_ref, conf_ref, winx_ref, acc_ref, out_ref):
    G = g_ref[...]
    bun = bun_ref[...]
    tg = tg_ref[...]
    win = bun[:, 0:1]
    atop = bun[:, 1:2]
    abot = bun[:, 2:3]
    tx = bun[:, 3:4]
    ty = bun[:, 4:5]
    twl = bun[:, 5:6]
    thl = bun[:, 6:7]
    bm8 = bun[:, 7:8]
    ba = bun[:, 8:9]
    istop = tg[:, 5:6]
    r8 = lax.broadcasted_iota(jnp.int32, (NT, 8, 1), 1).astype(jnp.float32)
    Grow = jnp.sum(jnp.where(r8 == bm8[:, :, None], G, 0.0), axis=1)
    Z = jnp.where(ba == 0.0, Grow[:, 0:NCH],
        jnp.where(ba == 1.0, Grow[:, NCH:2 * NCH],
                  Grow[:, 2 * NCH:3 * NCH]))
    P = 1.0 / (1.0 + jnp.exp(-Z))
    p_cx = P[:, 0:1]
    p_cy = P[:, 1:2]
    z_w = Z[:, 2:3]
    z_h = Z[:, 3:4]
    p_conf = P[:, 4:5]
    p_it = P[:, 5:6]
    Pc = P[:, 6:NCH]
    n_obj = jnp.sum(win)
    den = jnp.maximum(n_obj, 1.0)
    loss_box = jnp.sum(win * ((p_cx - tx) ** 2 + (p_cy - ty) ** 2 +
                              (z_w - twl) ** 2 + (z_h - thl) ** 2)) / den
    conf_obj = jnp.sum(win * (-jnp.maximum(jnp.log(p_conf), -100.0))) / den
    lp5 = jnp.maximum(jnp.log(p_it), -100.0)
    l1p5 = jnp.maximum(jnp.log(1.0 - p_it), -100.0)
    loss_label = jnp.sum(win * (-(istop * lp5 + (1.0 - istop) * l1p5))) / den
    T = tg[:, 6:NCH]
    lpP = jnp.maximum(jnp.log(Pc), -100.0)
    l1pP = jnp.maximum(jnp.log(1.0 - Pc), -100.0)
    L = -(T * lpP + (1.0 - T) * l1pP)
    topm = (lax.broadcasted_iota(jnp.int32, (1, NCLS), 1) < 40).astype(
        jnp.float32)
    top_s = jnp.sum(L * topm, axis=1, keepdims=True)
    bot_s = jnp.sum(L * (1.0 - topm), axis=1, keepdims=True)
    n_topc = jnp.sum(win * atop)
    n_botc = jnp.sum(win * abot)
    loss_top = jnp.where(
        n_topc > 0,
        jnp.sum(win * atop * top_s) / jnp.maximum(40.0 * n_topc, 1.0), 0.0)
    loss_bot = jnp.where(
        n_botc > 0,
        jnp.sum(win * abot * bot_s) / jnp.maximum(40.0 * n_botc, 1.0), 0.0)
    zc = conf_ref[...]
    wx = winx_ref[...]
    pzc = 1.0 / (1.0 + jnp.exp(-zc))
    excl_term = -jnp.maximum(jnp.log(1.0 - pzc), -100.0)
    corr = jnp.sum(wx * excl_term)
    nexc = jnp.sum(wx)
    bce_noobj = (acc_ref[0, 0] - corr) / jnp.maximum(NCELL - nexc, 1.0)
    loss_conf = conf_obj + NO_OBJ_W * bce_noobj
    out_ref[0, 0] = (loss_box + loss_conf + loss_label + loss_top + loss_bot)


def _final(g, bun, target, conf, winx, acc):
    return pl.pallas_call(
        _final_body,
        in_specs=[
            pl.BlockSpec((NT, 8, NCHA), lambda: (0, 0, 0)),
            pl.BlockSpec((NT, 16), lambda: (0, 0)),
            pl.BlockSpec((NT, NCH), lambda: (0, 0)),
            pl.BlockSpec((NEXC, 1), lambda: (0, 0)),
            pl.BlockSpec((NEXC, 1), lambda: (0, 0)),
            pl.BlockSpec(memory_space=pltpu.SMEM),
        ],
        out_specs=pl.BlockSpec(memory_space=pltpu.SMEM),
        out_shape=jax.ShapeDtypeStruct((1, 1), jnp.float32),
    )(g, bun, target, conf, winx, acc)


def kernel(x, target, anchors):
    xt = x.transpose(2, 3, 0, 1).reshape(NS, NB, NCHA)
    x3 = x.reshape(NB, NCHA, NS)
    bun, winx, cidx, sidx = _prep(target, anchors)
    out4, cf, acc = _dense(x3, anchors)
    conf = _sc_confgather_fn()(cidx.reshape(NEXC), cf.reshape(NCELL))
    g = _gather(sidx, xt)
    loss = _final(g, bun, target, conf.reshape(NEXC, 1), winx, acc)
    output = out4.transpose(0, 2, 1)
    return output, loss.reshape(())

# --- scband reference (transcript-rebuilt; emitter-appended) ---
"""Pipeline reference for scband-yolodetection-87093346828915 (READ-ONLY COPY).

The authoritative reference and input builder live on the scoring server;
editing this copy changes nothing except your own understanding.
"""

import jax, jax.numpy as jnp
import numpy as np

IMG_SIZE = 416.0
N_TOP = 40
N_BOTTOM = 40
N_ANCHOR = 3
THRESHOLD = 0.5
NO_OBJ_WEIGHT = 10.0


def setup_inputs(seed: int = 0):
    key = jax.random.key(seed)
    nb, ng = 32, 52
    ncls = N_TOP + N_BOTTOM
    ch = N_ANCHOR * (5 + 1 + ncls)
    k1, k2, k3, k4, k5, k6 = jax.random.split(key, 6)
    x = jax.random.normal(k1, (nb, ch, ng, ng), dtype=jnp.float32) * 0.5
    nt = 256
    b_i = jax.random.randint(k2, (nt,), 0, nb).astype(jnp.float32)
    cxy = jax.random.uniform(k3, (nt, 2), minval=0.02, maxval=0.98)
    wh = jax.random.uniform(k4, (nt, 2), minval=0.05, maxval=0.9)
    is_top = jax.random.randint(k5, (nt,), 0, 2)
    is_top = is_top.at[0].set(1).at[1].set(0)
    ci = jax.random.randint(k6, (nt,), 0, N_TOP)
    cls_col = jnp.where(is_top == 1, ci, N_TOP + (ci % N_BOTTOM))
    cls = jax.nn.one_hot(cls_col, ncls, dtype=jnp.float32)
    target = jnp.concatenate([b_i[:, None], cxy, wh, is_top.astype(jnp.float32)[:, None], cls], axis=1)
    anchors = jnp.array([[0.10, 0.13], [0.28, 0.22], [0.60, 0.55]], dtype=jnp.float32)
    return {'x': x, 'target': target, 'anchors': anchors}


def _masked_mse(p, t, m):
    mf = m.astype(jnp.float32)
    n = jnp.maximum(mf.sum(), 1.0)
    return jnp.sum(((p - t) ** 2) * mf) / n


def _masked_bce(p, t, m):
    mf = m.astype(jnp.float32)
    n = jnp.maximum(mf.sum(), 1.0)
    lp = jnp.maximum(jnp.log(p), -100.0)
    l1p = jnp.maximum(jnp.log(1.0 - p), -100.0)
    loss = -(t * lp + (1.0 - t) * l1p)
    return jnp.sum(loss * mf) / n


def _forward(x, target, anchors):
    nb = x.shape[0]
    ng = x.shape[2]
    na = anchors.shape[0]
    ncls = N_TOP + N_BOTTOM
    stride = IMG_SIZE / ng
    pred = x.reshape(nb, na, 5 + 1 + ncls, ng, ng).transpose(0, 1, 3, 4, 2)
    pred_cx = jax.nn.sigmoid(pred[..., 0])
    pred_cy = jax.nn.sigmoid(pred[..., 1])
    pred_w = pred[..., 2]
    pred_h = pred[..., 3]
    grid = jnp.arange(ng, dtype=jnp.float32)
    grid_x = jnp.tile(grid[None, :], (ng, 1)).reshape(1, 1, ng, ng)
    grid_y = jnp.tile(grid[:, None], (1, ng)).reshape(1, 1, ng, ng)
    anchor_w = anchors[:, 0].reshape(1, na, 1, 1)
    anchor_h = anchors[:, 1].reshape(1, na, 1, 1)
    pg = jnp.stack([(grid_x + pred_cx) * stride, (grid_y + pred_cy) * stride, anchor_w * jnp.exp(pred_w) * IMG_SIZE, anchor_h * jnp.exp(pred_h) * IMG_SIZE], axis=-1)
    pred_conf = jax.nn.sigmoid(pred[..., 4])
    pred_is_top = jax.nn.sigmoid(pred[..., 5])
    pred_class = jax.nn.sigmoid(pred[..., 6:])
    output = jnp.concatenate([pg.reshape(nb, -1, 4), pred_conf.reshape(nb, -1, 1), pred_is_top.reshape(nb, -1, 1), pred_class.reshape(nb, -1, ncls)], axis=-1)
    batch_i = target[:, 0].astype(jnp.int32)
    t_cx = target[:, 1] * ng
    t_cy = target[:, 2] * ng
    t_w = target[:, 3]
    t_h = target[:, 4]
    inter = jnp.minimum(anchors[:, 0][:, None], t_w[None, :]) * jnp.minimum(anchors[:, 1][:, None], t_h[None, :])
    union = (t_w * t_h)[None, :] + (anchors[:, 0] * anchors[:, 1])[:, None] - inter + 1e-16
    iou = inter / union
    best_a = jnp.argmax(iou, axis=0)
    t_ci = t_cx.astype(jnp.int32)
    t_cj = t_cy.astype(jnp.int32)
    obj_mask = jnp.zeros((nb, na, ng, ng), dtype=bool).at[batch_i, best_a, t_cj, t_ci].set(True)
    nt = target.shape[0]
    a_idx = jnp.broadcast_to(jnp.arange(na)[None, :], (nt, na))
    drop_upd = (iou.T > THRESHOLD).astype(jnp.int32)
    drop = jnp.zeros((nb, na, ng, ng), dtype=jnp.int32).at[batch_i[:, None], a_idx, t_cj[:, None], t_ci[:, None]].add(drop_upd) > 0
    no_obj_mask = jnp.ones((nb, na, ng, ng), dtype=bool).at[batch_i, best_a, t_cj, t_ci].set(False)
    no_obj_mask = no_obj_mask & (~drop)
    z = jnp.zeros((nb, na, ng, ng), dtype=jnp.float32)
    target_cx = z.at[batch_i, best_a, t_cj, t_ci].set(t_cx - jnp.floor(t_cx))
    target_cy = z.at[batch_i, best_a, t_cj, t_ci].set(t_cy - jnp.floor(t_cy))
    target_w = z.at[batch_i, best_a, t_cj, t_ci].set(jnp.log(t_w / anchors[best_a, 0] + 1e-16))
    target_h = z.at[batch_i, best_a, t_cj, t_ci].set(jnp.log(t_h / anchors[best_a, 1] + 1e-16))
    target_is_top = z.at[batch_i, best_a, t_cj, t_ci].set(target[:, 5])
    top_mask = jnp.arange(ncls) < N_TOP
    t_is_top_b = target[:, 5] > 0.5
    it_upd = (t_is_top_b[:, None] & top_mask[None, :]).astype(jnp.int32)
    ib_upd = ((~t_is_top_b)[:, None] & (~top_mask)[None, :]).astype(jnp.int32)
    zc = jnp.zeros((nb, na, ng, ng, ncls), dtype=jnp.int32)
    is_top_mask = zc.at[batch_i, best_a, t_cj, t_ci].add(it_upd) > 0
    is_bottom_mask = zc.at[batch_i, best_a, t_cj, t_ci].add(ib_upd) > 0
    target_class = jnp.zeros((nb, na, ng, ng, ncls), dtype=jnp.float32).at[batch_i, best_a, t_cj, t_ci].set(target[:, 6:])
    target_conf = obj_mask.astype(jnp.float32)
    loss_box = _masked_mse(pred_cx, target_cx, obj_mask) + _masked_mse(pred_cy, target_cy, obj_mask) + _masked_mse(pred_w, target_w, obj_mask) + _masked_mse(pred_h, target_h, obj_mask)
    loss_conf = _masked_bce(pred_conf, target_conf, obj_mask) + NO_OBJ_WEIGHT * _masked_bce(pred_conf, target_conf, no_obj_mask)
    loss_label = _masked_bce(pred_is_top, target_is_top, obj_mask)
    n_top_sel = is_top_mask.sum()
    n_bot_sel = is_bottom_mask.sum()
    loss_label = loss_label + jnp.where(n_top_sel > 0, _masked_bce(pred_class, target_class, is_top_mask), 0.0)
    loss_label = loss_label + jnp.where(n_bot_sel > 0, _masked_bce(pred_class, target_class, is_bottom_mask), 0.0)
    loss_total = loss_box + loss_conf + loss_label
    return output, loss_total


def reference(x, target, anchors):
    return _forward(x, target, anchors)

if __name__ == "__main__":
    import jax
    _d = setup_inputs()
    print(jax.jit(kernel)(*tuple(_d.values())))

</pallas_src>

<mosaic_0001>
#map = affine_map<(d0, d1) -> (0)>
module attributes {stable_mosaic.version = 14 : i64} {
  func.func @_sc_confgather_body(%arg0: i32, %arg1: i32, %arg2: memref<1024xi32, #tpu.memory_space<hbm>>, %arg3: memref<259584xf32, #tpu.memory_space<hbm>>, %arg4: memref<1024xf32, #tpu.memory_space<hbm>>, %arg5: memref<64xi32, #tpu.memory_space<vmem>>, %arg6: memref<64xf32, #tpu.memory_space<vmem>>, %arg7: memref<!tpu.dma_semaphore, #tpu.memory_space<semaphore_mem>>) attributes {dimension_semantics = [#tpu.dimension_semantics<core_parallel>, #tpu.dimension_semantics<subcore_parallel>], iteration_bounds = array<i64: 1, 16>, scalar_prefetch = 0 : i64, scratch_operands = 3 : i64, tpu.core_type = #tpu.core_type<sc_vector_subcore>, window_params = [{transform_indices = #map}, {transform_indices = #map}, {transform_indices = #map}]} {
    %mul3A = arith.constant 64 : i32
    %mul3A_0 = arith.muli %arg1, %mul3A : i32
    "tpu.region"() ({
      %run_scoped3A = tpu.sem_alloc : memref<!tpu.dma_semaphore, #tpu.memory_space<semaphore_mem>>
      %dma_start3A_5 = tpu.memref_slice %arg2[%mul3A_0] : memref<1024xi32, #tpu.memory_space<hbm>> -> memref<64xi32, #tpu.memory_space<hbm>>
      %dma_start3A_6 = tpu.memref_slice %arg2[%mul3A_0] : memref<1024xi32, #tpu.memory_space<hbm>> -> memref<64xi32, #tpu.memory_space<hbm>>
      tpu.enqueue_dma source(%dma_start3A_6 : memref<64xi32, #tpu.memory_space<hbm>>) target(%arg5 : memref<64xi32, #tpu.memory_space<vmem>>) target_semaphore(%run_scoped3A : memref<!tpu.dma_semaphore, #tpu.memory_space<semaphore_mem>>)
      %dma_wait3A_7 = tpu.memref_slice %arg2[%mul3A_0] : memref<1024xi32, #tpu.memory_space<hbm>> -> memref<64xi32, #tpu.memory_space<hbm>>
      %dma_wait3A_8 = tpu.memref_slice %arg2[%mul3A_0] : memref<1024xi32, #tpu.memory_space<hbm>> -> memref<64xi32, #tpu.memory_space<hbm>>
      tpu.wait_dma2 semaphore(%run_scoped3A : memref<!tpu.dma_semaphore, #tpu.memory_space<semaphore_mem>>) src(%dma_wait3A_8 : memref<64xi32, #tpu.memory_space<hbm>>) dst(%arg5 : memref<64xi32, #tpu.memory_space<vmem>>)
      tpu.yield
    }) : () -> ()
    %dma_start3A = arith.constant 0 : i32
    %dma_start3A_1 = tpu.memref_slice %arg3[%dma_start3A] : memref<259584xf32, #tpu.memory_space<hbm>> -> memref<259584xf32, #tpu.memory_space<hbm>>
    tpu.enqueue_indirect_dma source(%dma_start3A_1 : memref<259584xf32, #tpu.memory_space<hbm>>) target(%arg6 : memref<64xf32, #tpu.memory_space<vmem>>) offsets(%arg5 : memref<64xi32, #tpu.memory_space<vmem>>) semaphore(%arg7 : memref<!tpu.dma_semaphore, #tpu.memory_space<semaphore_mem>>)
    %dma_wait3A = arith.constant 0 : i32
    %dma_wait3A_2 = tpu.memref_slice %arg3[%dma_wait3A] : memref<259584xf32, #tpu.memory_space<hbm>> -> memref<259584xf32, #tpu.memory_space<hbm>>
    tpu.wait_indirect_dma semaphore(%arg7 : memref<!tpu.dma_semaphore, #tpu.memory_space<semaphore_mem>>) src(%dma_wait3A_2 : memref<259584xf32, #tpu.memory_space<hbm>>) dst(%arg6 : memref<64xf32, #tpu.memory_space<vmem>>)
    %mul3A_3 = arith.constant 64 : i32
    %mul3A_4 = arith.muli %arg1, %mul3A_3 : i32
    "tpu.region"() ({
      %run_scoped3A = tpu.sem_alloc : memref<!tpu.dma_semaphore, #tpu.memory_space<semaphore_mem>>
      %dma_start3A_5 = tpu.memref_slice %arg4[%mul3A_4] : memref<1024xf32, #tpu.memory_space<hbm>> -> memref<64xf32, #tpu.memory_space<hbm>>
      %dma_start3A_6 = tpu.memref_slice %arg4[%mul3A_4] : memref<1024xf32, #tpu.memory_space<hbm>> -> memref<64xf32, #tpu.memory_space<hbm>>
      tpu.enqueue_dma source(%arg6 : memref<64xf32, #tpu.memory_space<vmem>>) target(%dma_start3A_6 : memref<64xf32, #tpu.memory_space<hbm>>) target_semaphore(%run_scoped3A : memref<!tpu.dma_semaphore, #tpu.memory_space<semaphore_mem>>)
      %dma_wait3A_7 = tpu.memref_slice %arg4[%mul3A_4] : memref<1024xf32, #tpu.memory_space<hbm>> -> memref<64xf32, #tpu.memory_space<hbm>>
      %dma_wait3A_8 = tpu.memref_slice %arg4[%mul3A_4] : memref<1024xf32, #tpu.memory_space<hbm>> -> memref<64xf32, #tpu.memory_space<hbm>>
      tpu.wait_dma2 semaphore(%run_scoped3A : memref<!tpu.dma_semaphore, #tpu.memory_space<semaphore_mem>>) src(%arg6 : memref<64xf32, #tpu.memory_space<vmem>>) dst(%dma_wait3A_8 : memref<64xf32, #tpu.memory_space<hbm>>)
      tpu.yield
    }) : () -> ()
    return
  }
}

module attributes {stable_mosaic.version = 14 : i64} {
  func.func @_dense_body(%arg0: i32, %arg1: memref<1x258x2704xf32, #tpu.memory_space<vmem>>, %arg2: memref<3x2xf32, #tpu.memory_space<smem>>, %arg3: memref<1x86x8112xf32, #tpu.memory_space<vmem>>, %arg4: memref<1x1x8112xf32, #tpu.memory_space<vmem>>, %arg5: memref<1x1xf32, #tpu.memory_space<smem>>) attributes {dimension_semantics = [#tpu.dimension_semantics<arbitrary>], iteration_bounds = array<i64: 32>, scalar_prefetch = 0 : i64, scratch_operands = 0 : i64, tpu.core_type = #tpu.core_type<tc>, window_params = [{transform_indices = @transform_0, window_bounds = array<i64: 1, 258, 2704>}, {transform_indices = @transform_1, window_bounds = array<i64: 3, 2>}, {transform_indices = @transform_2, window_bounds = array<i64: 1, 86, 8112>}, {transform_indices = @transform_3, window_bounds = array<i64: 1, 1, 8112>}, {transform_indices = @transform_4, window_bounds = array<i64: 1, 1>}]} {
    %get3A = arith.constant 0 : index
    %get3A_0 = arith.constant 0 : index
    %get3A_1 = arith.constant 0 : index
    %get3A_2 = vector.load %arg1[%get3A, %get3A_0, %get3A_1] : memref<1x258x2704xf32, #tpu.memory_space<vmem>>, vector<1x258x2704xf32>
    %get3A_3 = vector.shape_cast %get3A_2 : vector<1x258x2704xf32> to vector<258x2704xf32>
    %iota3A = tpu.iota {dimensions = array<i32: 1>} : vector<1x2704xi32>
    %jit3A = arith.constant 52 : i32
    %eq3A = arith.constant 0 : i32
    %eq3A_4 = arith.cmpi eq, %jit3A, %eq3A : i32
    %jit3A_5 = arith.constant 1 : i32
    %select_n3A = arith.select %eq3A_4, %jit3A_5, %jit3A : i32
    %rem3A = vector.broadcast %select_n3A : i32 to vector<1x2704xi32>
    %rem3A_6 = arith.remsi %iota3A, %rem3A : vector<1x2704xi32>
    %ne3A = arith.constant 0 : i32
    %ne3A_7 = vector.broadcast %ne3A : i32 to vector<1x2704xi32>
    %ne3A_8 = arith.cmpi ne, %rem3A_6, %ne3A_7 : vector<1x2704xi32>
    %lt3A = arith.constant 0 : i32
    %lt3A_9 = vector.broadcast %lt3A : i32 to vector<1x2704xi32>
    %lt3A_10 = arith.cmpi slt, %rem3A_6, %lt3A_9 : vector<1x2704xi32>
    %lt3A_11 = arith.constant 0 : i32
    %lt3A_12 = arith.cmpi slt, %select_n3A, %lt3A_11 : i32
    %ne3A_13 = vector.broadcast %lt3A_12 : i1 to vector<1x2704xi1>
    %ne3A_14 = vector.broadcast %ne3A_13 : vector<1x2704xi1> to vector<1x2704xi1>
    %ne3A_15 = arith.xori %lt3A_10, %ne3A_14 : vector<1x2704xi1>
    %and3A = arith.andi %ne3A_15, %ne3A_8 : vector<1x2704xi1>
    %add3A = vector.broadcast %select_n3A : i32 to vector<1x2704xi32>
    %add3A_16 = arith.addi %rem3A_6, %add3A : vector<1x2704xi32>
    %select_n3A_17 = arith.select %and3A, %add3A_16, %rem3A_6 : vector<1x2704xi1>, vector<1x2704xi32>
    %convert_element_type3A = arith.sitofp %select_n3A_17 : vector<1x2704xi32> to vector<1x2704xf32>
    %jit3A_18 = arith.constant 52 : i32
    %div3A = vector.broadcast %jit3A_18 : i32 to vector<1x2704xi32>
    %div3A_19 = arith.divsi %iota3A, %div3A : vector<1x2704xi32>
    %sign3A = arith.constant 0 : i32
    %sign3A_20 = vector.broadcast %sign3A : i32 to vector<1x2704xi32>
    %sign3A_21 = arith.cmpi sgt, %iota3A, %sign3A_20 : vector<1x2704xi32>
    %sign3A_22 = arith.extui %sign3A_21 : vector<1x2704xi1> to vector<1x2704xi32>
    %sign3A_23 = arith.constant 0 : i32
    %sign3A_24 = vector.broadcast %sign3A_23 : i32 to vector<1x2704xi32>
    %sign3A_25 = arith.cmpi slt, %iota3A, %sign3A_24 : vector<1x2704xi32>
    %sign3A_26 = arith.extui %sign3A_25 : vector<1x2704xi1> to vector<1x2704xi32>
    %sign3A_27 = arith.subi %sign3A_22, %sign3A_26 : vector<1x2704xi32>
    %sign3A_28 = arith.constant 0 : i32
    %sign3A_29 = arith.cmpi sgt, %jit3A_18, %sign3A_28 : i32
    %sign3A_30 = arith.extui %sign3A_29 : i1 to i32
    %sign3A_31 = arith.constant 0 : i32
    %sign3A_32 = arith.cmpi slt, %jit3A_18, %sign3A_31 : i32
    %sign3A_33 = arith.extui %sign3A_32 : i1 to i32
    %sign3A_34 = arith.subi %sign3A_30, %sign3A_33 : i32
    %ne3A_35 = vector.broadcast %sign3A_34 : i32 to vector<1x2704xi32>
    %ne3A_36 = arith.cmpi ne, %sign3A_27, %ne3A_35 : vector<1x2704xi32>
    %rem3A_37 = vector.broadcast %jit3A_18 : i32 to vector<1x2704xi32>
    %rem3A_38 = arith.remsi %iota3A, %rem3A_37 : vector<1x2704xi32>
    %ne3A_39 = arith.constant 0 : i32
    %ne3A_40 = vector.broadcast %ne3A_39 : i32 to vector<1x2704xi32>
    %ne3A_41 = arith.cmpi ne, %rem3A_38, %ne3A_40 : vector<1x2704xi32>
    %and3A_42 = arith.andi %ne3A_36, %ne3A_41 : vector<1x2704xi1>
    %sub3A = arith.constant 1 : i32
    %sub3A_43 = vector.broadcast %sub3A : i32 to vector<1x2704xi32>
    %sub3A_44 = arith.subi %div3A_19, %sub3A_43 : vector<1x2704xi32>
    %select_n3A_45 = arith.select %and3A_42, %sub3A_44, %div3A_19 : vector<1x2704xi1>, vector<1x2704xi32>
    %convert_element_type3A_46 = arith.sitofp %select_n3A_45 : vector<1x2704xi32> to vector<1x2704xf32>
    %iota3A_47 = tpu.iota {dimensions = array<i32: 0>} : vector<86x1xi32>
    %slice3A = vector.extract_strided_slice %get3A_3 {offsets = [0, 0], sizes = [86, 2704], strides = [1, 1]} : vector<258x2704xf32> to vector<86x2704xf32>
    %neg3A = arith.constant 0.000000e+00 : f32
    %neg3A_48 = vector.broadcast %neg3A : f32 to vector<86x2704xf32>
    %neg3A_49 = arith.subf %neg3A_48, %slice3A : vector<86x2704xf32>
    %exp3A = math.exp %neg3A_49 : vector<86x2704xf32>
    %add3A_50 = arith.constant 1.000000e+00 : f32
    %add3A_51 = vector.broadcast %add3A_50 : f32 to vector<86x2704xf32>
    %add3A_52 = arith.addf %add3A_51, %exp3A : vector<86x2704xf32>
    %div3A_53 = arith.constant 1.000000e+00 : f32
    %div3A_54 = vector.broadcast %div3A_53 : f32 to vector<86x2704xf32>
    %div3A_55 = arith.divf %div3A_54, %add3A_52 : vector<86x2704xf32>
    %exp3A_56 = math.exp %slice3A : vector<86x2704xf32>
    %get3A_57 = arith.constant 0 : index
    %get3A_58 = arith.constant 0 : index
    %get3A_59 = memref.load %arg2[%get3A_57, %get3A_58] : memref<3x2xf32, #tpu.memory_space<smem>>
    %get3A_60 = arith.constant 0 : index
    %get3A_61 = arith.constant 1 : index
    %get3A_62 = memref.load %arg2[%get3A_60, %get3A_61] : memref<3x2xf32, #tpu.memory_space<smem>>
    %eq3A_63 = arith.constant 2 : i32
    %eq3A_64 = vector.broadcast %eq3A_63 : i32 to vector<86x1xi32>
    %eq3A_65 = arith.cmpi eq, %iota3A_47, %eq3A_64 : vector<86x1xi32>
    %broadcast_in_dim3A = vector.broadcast %get3A_59 : f32 to vector<86x1xf32>
    %broadcast_in_dim3A_66 = vector.broadcast %get3A_62 : f32 to vector<86x1xf32>
    %select_n3A_67 = arith.select %eq3A_65, %broadcast_in_dim3A, %broadcast_in_dim3A_66 : vector<86x1xi1>, vector<86x1xf32>
    %eq3A_68 = arith.constant 0 : i32
    %eq3A_69 = vector.broadcast %eq3A_68 : i32 to vector<86x1xi32>
    %eq3A_70 = arith.cmpi eq, %iota3A_47, %eq3A_69 : vector<86x1xi32>
    %add3A_71 = vector.broadcast %convert_element_type3A : vector<1x2704xf32> to vector<86x2704xf32>
    %add3A_72 = arith.addf %add3A_71, %div3A_55 : vector<86x2704xf32>
    %mul3A = arith.constant 8.000000e+00 : f32
    %mul3A_73 = vector.broadcast %mul3A : f32 to vector<86x2704xf32>
    %mul3A_74 = arith.mulf %add3A_72, %mul3A_73 : vector<86x2704xf32>
    %eq3A_75 = arith.constant 1 : i32
    %eq3A_76 = vector.broadcast %eq3A_75 : i32 to vector<86x1xi32>
    %eq3A_77 = arith.cmpi eq, %iota3A_47, %eq3A_76 : vector<86x1xi32>
    %add3A_78 = vector.broadcast %convert_element_type3A_46 : vector<1x2704xf32> to vector<86x2704xf32>
    %add3A_79 = arith.addf %add3A_78, %div3A_55 : vector<86x2704xf32>
    %mul3A_80 = arith.constant 8.000000e+00 : f32
    %mul3A_81 = vector.broadcast %mul3A_80 : f32 to vector<86x2704xf32>
    %mul3A_82 = arith.mulf %add3A_79, %mul3A_81 : vector<86x2704xf32>
    %lt3A_83 = arith.constant 4 : i32
    %lt3A_84 = vector.broadcast %lt3A_83 : i32 to vector<86x1xi32>
    %lt3A_85 = arith.cmpi slt, %iota3A_47, %lt3A_84 : vector<86x1xi32>
    %mul3A_86 = arith.constant 4.160000e+02 : f32
    %mul3A_87 = vector.broadcast %mul3A_86 : f32 to vector<86x1xf32>
    %mul3A_88 = arith.mulf %select_n3A_67, %mul3A_87 : vector<86x1xf32>
    %mul3A_89 = vector.broadcast %mul3A_88 : vector<86x1xf32> to vector<86x2704xf32>
    %mul3A_90 = arith.mulf %mul3A_89, %exp3A_56 : vector<86x2704xf32>
    %broadcast_in_dim3A_91 = vector.shape_cast %lt3A_85 : vector<86x1xi1> to vector<86x1xi1>
    %broadcast_in_dim3A_92 = vector.broadcast %broadcast_in_dim3A_91 : vector<86x1xi1> to vector<86x2704xi1>
    %select_n3A_93 = arith.select %broadcast_in_dim3A_92, %mul3A_90, %div3A_55 : vector<86x2704xi1>, vector<86x2704xf32>
    %broadcast_in_dim3A_94 = vector.shape_cast %eq3A_77 : vector<86x1xi1> to vector<86x1xi1>
    %broadcast_in_dim3A_95 = vector.broadcast %broadcast_in_dim3A_94 : vector<86x1xi1> to vector<86x2704xi1>
    %select_n3A_96 = arith.select %broadcast_in_dim3A_95, %mul3A_82, %select_n3A_93 : vector<86x2704xi1>, vector<86x2704xf32>
    %broadcast_in_dim3A_97 = vector.shape_cast %eq3A_70 : vector<86x1xi1> to vector<86x1xi1>
    %broadcast_in_dim3A_98 = vector.broadcast %broadcast_in_dim3A_97 : vector<86x1xi1> to vector<86x2704xi1>
    %select_n3A_99 = arith.select %broadcast_in_dim3A_98, %mul3A_74, %select_n3A_96 : vector<86x2704xi1>, vector<86x2704xf32>
    %slice3A_100 = vector.extract_strided_slice %div3A_55 {offsets = [4, 0], sizes = [1, 2704], strides = [1, 1]} : vector<86x2704xf32> to vector<1x2704xf32>
    %sub3A_101 = arith.constant 1.000000e+00 : f32
    %sub3A_102 = vector.broadcast %sub3A_101 : f32 to vector<1x2704xf32>
    %sub3A_103 = arith.subf %sub3A_102, %slice3A_100 : vector<1x2704xf32>
    %log3A = math.log %sub3A_103 : vector<1x2704xf32>
    %max3A = arith.constant -1.000000e+02 : f32
    %max3A_104 = vector.broadcast %max3A : f32 to vector<1x2704xf32>
    %max3A_105 = arith.maximumf %log3A, %max3A_104 : vector<1x2704xf32>
    %neg3A_106 = arith.constant 0.000000e+00 : f32
    %neg3A_107 = vector.broadcast %neg3A_106 : f32 to vector<1x2704xf32>
    %neg3A_108 = arith.subf %neg3A_107, %max3A_105 : vector<1x2704xf32>
    %reduce_sum3A = vector.shape_cast %neg3A_108 : vector<1x2704xf32> to vector<1x1x2704xf32>
    %reduce_sum3A_109 = arith.constant dense<0.000000e+00> : vector<1xf32>
    %reduce_sum3A_110 = vector.multi_reduction <add>, %reduce_sum3A, %reduce_sum3A_109 [1, 2] : vector<1x1x2704xf32> to vector<1xf32>
    %reduce_sum3A_111 = vector.shape_cast %reduce_sum3A_110 : vector<1xf32> to vector<1x1x1xf32>
    %reduce_sum3A_112 = vector.extract %reduce_sum3A_111[0, 0, 0] : f32 from vector<1x1x1xf32>
    %add3A_113 = arith.constant 0.000000e+00 : f32
    %add3A_114 = arith.addf %add3A_113, %reduce_sum3A_112 : f32
    %slice3A_115 = vector.extract_strided_slice %get3A_3 {offsets = [86, 0], sizes = [86, 2704], strides = [1, 1]} : vector<258x2704xf32> to vector<86x2704xf32>
    %neg3A_116 = arith.constant 0.000000e+00 : f32
    %neg3A_117 = vector.broadcast %neg3A_116 : f32 to vector<86x2704xf32>
    %neg3A_118 = arith.subf %neg3A_117, %slice3A_115 : vector<86x2704xf32>
    %exp3A_119 = math.exp %neg3A_118 : vector<86x2704xf32>
    %add3A_120 = arith.constant 1.000000e+00 : f32
    %add3A_121 = vector.broadcast %add3A_120 : f32 to vector<86x2704xf32>
    %add3A_122 = arith.addf %add3A_121, %exp3A_119 : vector<86x2704xf32>
    %div3A_123 = arith.constant 1.000000e+00 : f32
    %div3A_124 = vector.broadcast %div3A_123 : f32 to vector<86x2704xf32>
    %div3A_125 = arith.divf %div3A_124, %add3A_122 : vector<86x2704xf32>
    %exp3A_126 = math.exp %slice3A_115 : vector<86x2704xf32>
    %get3A_127 = arith.constant 1 : index
    %get3A_128 = arith.constant 0 : index
    %get3A_129 = memref.load %arg2[%get3A_127, %get3A_128] : memref<3x2xf32, #tpu.memory_space<smem>>
    %get3A_130 = arith.constant 1 : index
    %get3A_131 = arith.constant 1 : index
    %get3A_132 = memref.load %arg2[%get3A_130, %get3A_131] : memref<3x2xf32, #tpu.memory_space<smem>>
    %eq3A_133 = arith.constant 2 : i32
    %eq3A_134 = vector.broadcast %eq3A_133 : i32 to vector<86x1xi32>
    %eq3A_135 = arith.cmpi eq, %iota3A_47, %eq3A_134 : vector<86x1xi32>
    %broadcast_in_dim3A_136 = vector.broadcast %get3A_129 : f32 to vector<86x1xf32>
    %broadcast_in_dim3A_137 = vector.broadcast %get3A_132 : f32 to vector<86x1xf32>
    %select_n3A_138 = arith.select %eq3A_135, %broadcast_in_dim3A_136, %broadcast_in_dim3A_137 : vector<86x1xi1>, vector<86x1xf32>
    %eq3A_139 = arith.constant 0 : i32
    %eq3A_140 = vector.broadcast %eq3A_139 : i32 to vector<86x1xi32>
    %eq3A_141 = arith.cmpi eq, %iota3A_47, %eq3A_140 : vector<86x1xi32>
    %add3A_142 = vector.broadcast %convert_element_type3A : vector<1x2704xf32> to vector<86x2704xf32>
    %add3A_143 = arith.addf %add3A_142, %div3A_125 : vector<86x2704xf32>
    %mul3A_144 = arith.constant 8.000000e+00 : f32
    %mul3A_145 = vector.broadcast %mul3A_144 : f32 to vector<86x2704xf32>
    %mul3A_146 = arith.mulf %add3A_143, %mul3A_145 : vector<86x2704xf32>
    %eq3A_147 = arith.constant 1 : i32
    %eq3A_148 = vector.broadcast %eq3A_147 : i32 to vector<86x1xi32>
    %eq3A_149 = arith.cmpi eq, %iota3A_47, %eq3A_148 : vector<86x1xi32>
    %add3A_150 = vector.broadcast %convert_element_type3A_46 : vector<1x2704xf32> to vector<86x2704xf32>
    %add3A_151 = arith.addf %add3A_150, %div3A_125 : vector<86x2704xf32>
    %mul3A_152 = arith.constant 8.000000e+00 : f32
    %mul3A_153 = vector.broadcast %mul3A_152 : f32 to vector<86x2704xf32>
    %mul3A_154 = arith.mulf %add3A_151, %mul3A_153 : vector<86x2704xf32>
    %lt3A_155 = arith.constant 4 : i32
    %lt3A_156 = vector.broadcast %lt3A_155 : i32 to vector<86x1xi32>
    %lt3A_157 = arith.cmpi slt, %iota3A_47, %lt3A_156 : vector<86x1xi32>
    %mul3A_158 = arith.constant 4.160000e+02 : f32
    %mul3A_159 = vector.broadcast %mul3A_158 : f32 to vector<86x1xf32>
    %mul3A_160 = arith.mulf %select_n3A_138, %mul3A_159 : vector<86x1xf32>
    %mul3A_161 = vector.broadcast %mul3A_160 : vector<86x1xf32> to vector<86x2704xf32>
    %mul3A_162 = arith.mulf %mul3A_161, %exp3A_126 : vector<86x2704xf32>
    %broadcast_in_dim3A_163 = vector.shape_cast %lt3A_157 : vector<86x1xi1> to vector<86x1xi1>
    %broadcast_in_dim3A_164 = vector.broadcast %broadcast_in_dim3A_163 : vector<86x1xi1> to vector<86x2704xi1>
    %select_n3A_165 = arith.select %broadcast_in_dim3A_164, %mul3A_162, %div3A_125 : vector<86x2704xi1>, vector<86x2704xf32>
    %broadcast_in_dim3A_166 = vector.shape_cast %eq3A_149 : vector<86x1xi1> to vector<86x1xi1>
    %broadcast_in_dim3A_167 = vector.broadcast %broadcast_in_dim3A_166 : vector<86x1xi1> to vector<86x2704xi1>
    %select_n3A_168 = arith.select %broadcast_in_dim3A_167, %mul3A_154, %select_n3A_165 : vector<86x2704xi1>, vector<86x2704xf32>
    %broadcast_in_dim3A_169 = vector.shape_cast %eq3A_141 : vector<86x1xi1> to vector<86x1xi1>
    %broadcast_in_dim3A_170 = vector.broadcast %broadcast_in_dim3A_169 : vector<86x1xi1> to vector<86x2704xi1>
    %select_n3A_171 = arith.select %broadcast_in_dim3A_170, %mul3A_146, %select_n3A_168 : vector<86x2704xi1>, vector<86x2704xf32>
    %slice3A_172 = vector.extract_strided_slice %div3A_125 {offsets = [4, 0], sizes = [1, 2704], strides = [1, 1]} : vector<86x2704xf32> to vector<1x2704xf32>
    %sub3A_173 = arith.constant 1.000000e+00 : f32
    %sub3A_174 = vector.broadcast %sub3A_173 : f32 to vector<1x2704xf32>
    %sub3A_175 = arith.subf %sub3A_174, %slice3A_172 : vector<1x2704xf32>
    %log3A_176 = math.log %sub3A_175 : vector<1x2704xf32>
    %max3A_177 = arith.constant -1.000000e+02 : f32
    %max3A_178 = vector.broadcast %max3A_177 : f32 to vector<1x2704xf32>
    %max3A_179 = arith.maximumf %log3A_176, %max3A_178 : vector<1x2704xf32>
    %neg3A_180 = arith.constant 0.000000e+00 : f32
    %neg3A_181 = vector.broadcast %neg3A_180 : f32 to vector<1x2704xf32>
    %neg3A_182 = arith.subf %neg3A_181, %max3A_179 : vector<1x2704xf32>
    %reduce_sum3A_183 = vector.shape_cast %neg3A_182 : vector<1x2704xf32> to vector<1x1x2704xf32>
    %reduce_sum3A_184 = arith.constant dense<0.000000e+00> : vector<1xf32>
    %reduce_sum3A_185 = vector.multi_reduction <add>, %reduce_sum3A_183, %reduce_sum3A_184 [1, 2] : vector<1x1x2704xf32> to vector<1xf32>
    %reduce_sum3A_186 = vector.shape_cast %reduce_sum3A_185 : vector<1xf32> to vector<1x1x1xf32>
    %reduce_sum3A_187 = vector.extract %reduce_sum3A_186[0, 0, 0] : f32 from vector<1x1x1xf32>
    %add3A_188 = arith.addf %add3A_114, %reduce_sum3A_187 : f32
    %slice3A_189 = vector.extract_strided_slice %get3A_3 {offsets = [172, 0], sizes = [86, 2704], strides = [1, 1]} : vector<258x2704xf32> to vector<86x2704xf32>
    %neg3A_190 = arith.constant 0.000000e+00 : f32
    %neg3A_191 = vector.broadcast %neg3A_190 : f32 to vector<86x2704xf32>
    %neg3A_192 = arith.subf %neg3A_191, %slice3A_189 : vector<86x2704xf32>
    %exp3A_193 = math.exp %neg3A_192 : vector<86x2704xf32>
    %add3A_194 = arith.constant 1.000000e+00 : f32
    %add3A_195 = vector.broadcast %add3A_194 : f32 to vector<86x2704xf32>
    %add3A_196 = arith.addf %add3A_195, %exp3A_193 : vector<86x2704xf32>
    %div3A_197 = arith.constant 1.000000e+00 : f32
    %div3A_198 = vector.broadcast %div3A_197 : f32 to vector<86x2704xf32>
    %div3A_199 = arith.divf %div3A_198, %add3A_196 : vector<86x2704xf32>
    %exp3A_200 = math.exp %slice3A_189 : vector<86x2704xf32>
    %get3A_201 = arith.constant 2 : index
    %get3A_202 = arith.constant 0 : index
    %get3A_203 = memref.load %arg2[%get3A_201, %get3A_202] : memref<3x2xf32, #tpu.memory_space<smem>>
    %get3A_204 = arith.constant 2 : index
    %get3A_205 = arith.constant 1 : index
    %get3A_206 = memref.load %arg2[%get3A_204, %get3A_205] : memref<3x2xf32, #tpu.memory_space<smem>>
    %eq3A_207 = arith.constant 2 : i32
    %eq3A_208 = vector.broadcast %eq3A_207 : i32 to vector<86x1xi32>
    %eq3A_209 = arith.cmpi eq, %iota3A_47, %eq3A_208 : vector<86x1xi32>
    %broadcast_in_dim3A_210 = vector.broadcast %get3A_203 : f32 to vector<86x1xf32>
    %broadcast_in_dim3A_211 = vector.broadcast %get3A_206 : f32 to vector<86x1xf32>
    %select_n3A_212 = arith.select %eq3A_209, %broadcast_in_dim3A_210, %broadcast_in_dim3A_211 : vector<86x1xi1>, vector<86x1xf32>
    %eq3A_213 = arith.constant 0 : i32
    %eq3A_214 = vector.broadcast %eq3A_213 : i32 to vector<86x1xi32>
    %eq3A_215 = arith.cmpi eq, %iota3A_47, %eq3A_214 : vector<86x1xi32>
    %add3A_216 = vector.broadcast %convert_element_type3A : vector<1x2704xf32> to vector<86x2704xf32>
    %add3A_217 = arith.addf %add3A_216, %div3A_199 : vector<86x2704xf32>
    %mul3A_218 = arith.constant 8.000000e+00 : f32
    %mul3A_219 = vector.broadcast %mul3A_218 : f32 to vector<86x2704xf32>
    %mul3A_220 = arith.mulf %add3A_217, %mul3A_219 : vector<86x2704xf32>
    %eq3A_221 = arith.constant 1 : i32
    %eq3A_222 = vector.broadcast %eq3A_221 : i32 to vector<86x1xi32>
    %eq3A_223 = arith.cmpi eq, %iota3A_47, %eq3A_222 : vector<86x1xi32>
    %add3A_224 = vector.broadcast %convert_element_type3A_46 : vector<1x2704xf32> to vector<86x2704xf32>
    %add3A_225 = arith.addf %add3A_224, %div3A_199 : vector<86x2704xf32>
    %mul3A_226 = arith.constant 8.000000e+00 : f32
    %mul3A_227 = vector.broadcast %mul3A_226 : f32 to vector<86x2704xf32>
    %mul3A_228 = arith.mulf %add3A_225, %mul3A_227 : vector<86x2704xf32>
    %lt3A_229 = arith.constant 4 : i32
    %lt3A_230 = vector.broadcast %lt3A_229 : i32 to vector<86x1xi32>
    %lt3A_231 = arith.cmpi slt, %iota3A_47, %lt3A_230 : vector<86x1xi32>
    %mul3A_232 = arith.constant 4.160000e+02 : f32
    %mul3A_233 = vector.broadcast %mul3A_232 : f32 to vector<86x1xf32>
    %mul3A_234 = arith.mulf %select_n3A_212, %mul3A_233 : vector<86x1xf32>
    %mul3A_235 = vector.broadcast %mul3A_234 : vector<86x1xf32> to vector<86x2704xf32>
    %mul3A_236 = arith.mulf %mul3A_235, %exp3A_200 : vector<86x2704xf32>
    %broadcast_in_dim3A_237 = vector.shape_cast %lt3A_231 : vector<86x1xi1> to vector<86x1xi1>
    %broadcast_in_dim3A_238 = vector.broadcast %broadcast_in_dim3A_237 : vector<86x1xi1> to vector<86x2704xi1>
    %select_n3A_239 = arith.select %broadcast_in_dim3A_238, %mul3A_236, %div3A_199 : vector<86x2704xi1>, vector<86x2704xf32>
    %broadcast_in_dim3A_240 = vector.shape_cast %eq3A_223 : vector<86x1xi1> to vector<86x1xi1>
    %broadcast_in_dim3A_241 = vector.broadcast %broadcast_in_dim3A_240 : vector<86x1xi1> to vector<86x2704xi1>
    %select_n3A_242 = arith.select %broadcast_in_dim3A_241, %mul3A_228, %select_n3A_239 : vector<86x2704xi1>, vector<86x2704xf32>
    %broadcast_in_dim3A_243 = vector.shape_cast %eq3A_215 : vector<86x1xi1> to vector<86x1xi1>
    %broadcast_in_dim3A_244 = vector.broadcast %broadcast_in_dim3A_243 : vector<86x1xi1> to vector<86x2704xi1>
    %select_n3A_245 = arith.select %broadcast_in_dim3A_244, %mul3A_220, %select_n3A_242 : vector<86x2704xi1>, vector<86x2704xf32>
    %slice3A_246 = vector.extract_strided_slice %div3A_199 {offsets = [4, 0], sizes = [1, 2704], strides = [1, 1]} : vector<86x2704xf32> to vector<1x2704xf32>
    %sub3A_247 = arith.constant 1.000000e+00 : f32
    %sub3A_248 = vector.broadcast %sub3A_247 : f32 to vector<1x2704xf32>
    %sub3A_249 = arith.subf %sub3A_248, %slice3A_246 : vector<1x2704xf32>
    %log3A_250 = math.log %sub3A_249 : vector<1x2704xf32>
    %max3A_251 = arith.constant -1.000000e+02 : f32
    %max3A_252 = vector.broadcast %max3A_251 : f32 to vector<1x2704xf32>
    %max3A_253 = arith.maximumf %log3A_250, %max3A_252 : vector<1x2704xf32>
    %neg3A_254 = arith.constant 0.000000e+00 : f32
    %neg3A_255 = vector.broadcast %neg3A_254 : f32 to vector<1x2704xf32>
    %neg3A_256 = arith.subf %neg3A_255, %max3A_253 : vector<1x2704xf32>
    %reduce_sum3A_257 = vector.shape_cast %neg3A_256 : vector<1x2704xf32> to vector<1x1x2704xf32>
    %reduce_sum3A_258 = arith.constant dense<0.000000e+00> : vector<1xf32>
    %reduce_sum3A_259 = vector.multi_reduction <add>, %reduce_sum3A_257, %reduce_sum3A_258 [1, 2] : vector<1x1x2704xf32> to vector<1xf32>
    %reduce_sum3A_260 = vector.shape_cast %reduce_sum3A_259 : vector<1xf32> to vector<1x1x1xf32>
    %reduce_sum3A_261 = vector.extract %reduce_sum3A_260[0, 0, 0] : f32 from vector<1x1x1xf32>
    %add3A_262 = arith.addf %add3A_188, %reduce_sum3A_261 : f32
    %concatenate3A = tpu.concatenate %select_n3A_99, %select_n3A_171, %select_n3A_245 in 1 : vector<86x2704xf32>, vector<86x2704xf32>, vector<86x2704xf32> -> vector<86x8112xf32>
    %reshape3A = vector.shape_cast %concatenate3A : vector<86x8112xf32> to vector<1x86x8112xf32>
    %swap3A = arith.constant 0 : index
    %swap3A_263 = arith.constant 0 : index
    %swap3A_264 = arith.constant 0 : index
    %swap3A_265 = vector.load %arg3[%swap3A, %swap3A_263, %swap3A_264] : memref<1x86x8112xf32, #tpu.memory_space<vmem>>, vector<1x86x8112xf32>
    tpu.vector_store %arg3[%swap3A, %swap3A_263, %swap3A_264], %reshape3A {strides = array<i32>} : memref<1x86x8112xf32, #tpu.memory_space<vmem>>, vector<1x86x8112xf32>,
    %slice3A_266 = vector.extract_strided_slice %get3A_3 {offsets = [4, 0], sizes = [1, 2704], strides = [1, 1]} : vector<258x2704xf32> to vector<1x2704xf32>
    %slice3A_267 = vector.extract_strided_slice %get3A_3 {offsets = [90, 0], sizes = [1, 2704], strides = [1, 1]} : vector<258x2704xf32> to vector<1x2704xf32>
    %slice3A_268 = vector.extract_strided_slice %get3A_3 {offsets = [176, 0], sizes = [1, 2704], strides = [1, 1]} : vector<258x2704xf32> to vector<1x2704xf32>
    %concatenate3A_269 = tpu.concatenate %slice3A_266, %slice3A_267, %slice3A_268 in 1 : vector<1x2704xf32>, vector<1x2704xf32>, vector<1x2704xf32> -> vector<1x8112xf32>
    %reshape3A_270 = vector.shape_cast %concatenate3A_269 : vector<1x8112xf32> to vector<1x1x8112xf32>
    %swap3A_271 = arith.constant 0 : index
    %swap3A_272 = arith.constant 0 : index
    %swap3A_273 = arith.constant 0 : index
    %swap3A_274 = vector.load %arg4[%swap3A_271, %swap3A_272, %swap3A_273] : memref<1x1x8112xf32, #tpu.memory_space<vmem>>, vector<1x1x8112xf32>
    tpu.vector_store %arg4[%swap3A_271, %swap3A_272, %swap3A_273], %reshape3A_270 {strides = array<i32>} : memref<1x1x8112xf32, #tpu.memory_space<vmem>>, vector<1x1x8112xf32>,
    %eq3A_275 = arith.constant 0 : i32
    %eq3A_276 = arith.cmpi eq, %arg0, %eq3A_275 : i32
    %convert_element_type3A_277 = arith.extui %eq3A_276 : i1 to i32
    %cond3A = arith.constant 0 : i32
    %cond3A_278 = arith.cmpi ne, %convert_element_type3A_277, %cond3A : i32
    scf.if %cond3A_278 {
      %swap3A_286 = arith.constant 0.000000e+00 : f32
      %swap3A_287 = arith.constant 0 : index
      %swap3A_288 = arith.constant 0 : index
      %swap3A_289 = memref.load %arg5[%swap3A_287, %swap3A_288] : memref<1x1xf32, #tpu.memory_space<smem>>
      memref.store %swap3A_286, %arg5[%swap3A_287, %swap3A_288] : memref<1x1xf32, #tpu.memory_space<smem>>
    } else {
    }
    %get3A_279 = arith.constant 0 : index
    %get3A_280 = arith.constant 0 : index
    %get3A_281 = memref.load %arg5[%get3A_279, %get3A_280] : memref<1x1xf32, #tpu.memory_space<smem>>
    %add3A_282 = arith.addf %get3A_281, %add3A_262 : f32
    %swap3A_283 = arith.constant 0 : index
    %swap3A_284 = arith.constant 0 : index
    %swap3A_285 = memref.load %arg5[%swap3A_283, %swap3A_284] : memref<1x1xf32, #tpu.memory_space<smem>>
    memref.store %add3A_282, %arg5[%swap3A_283, %swap3A_284] : memref<1x1xf32, #tpu.memory_space<smem>>
    return
  }
  func.func @transform_0(%arg0: i32) -> (i32, i32, i32) {
    %c0_i32 = arith.constant 0 : i32
    %c0_i32_0 = arith.constant 0 : i32
    %c0_i32_1 = arith.constant 0 : i32
    return %arg0, %c0_i32, %c0_i32_0 : i32, i32, i32
  }
  func.func @transform_1(%arg0: i32) -> (i32, i32) {
    %c0_i32 = arith.constant 0 : i32
    %c0_i32_0 = arith.constant 0 : i32
    %c0_i32_1 = arith.constant 0 : i32
    return %c0_i32, %c0_i32_0 : i32, i32
  }
  func.func @transform_2(%arg0: i32) -> (i32, i32, i32) {
    %c0_i32 = arith.constant 0 : i32
    %c0_i32_0 = arith.constant 0 : i32
    %c0_i32_1 = arith.constant 0 : i32
    return %arg0, %c0_i32, %c0_i32_0 : i32, i32, i32
  }
  func.func @transform_3(%arg0: i32) -> (i32, i32, i32) {
    %c0_i32 = arith.constant 0 : i32
    %c0_i32_0 = arith.constant 0 : i32
    %c0_i32_1 = arith.constant 0 : i32
    return %arg0, %c0_i32, %c0_i32_0 : i32, i32, i32
  }
  func.func @transform_4(%arg0: i32) -> (i32, i32) {
    %c0_i32 = arith.constant 0 : i32
    %c0_i32_0 = arith.constant 0 : i32
    %c0_i32_1 = arith.constant 0 : i32
    return %c0_i32, %c0_i32_0 : i32, i32
  }
}

module attributes {stable_mosaic.version = 14 : i64} {
  func.func @_prep_body(%arg0: memref<256x86xf32, #tpu.memory_space<vmem>>, %arg1: memref<3x2xf32, #tpu.memory_space<smem>>, %arg2: memref<256x16xf32, #tpu.memory_space<vmem>>, %arg3: memref<1024x1xf32, #tpu.memory_space<vmem>>, %arg4: memref<1024x1xi32, #tpu.memory_space<vmem>>, %arg5: memref<256x2xi32, #tpu.memory_space<vmem>>) attributes {dimension_semantics = [], scalar_prefetch = 0 : i64, scratch_operands = 0 : i64, tpu.core_type = #tpu.core_type<tc>} {
    %get3A = arith.constant 0 : index
    %get3A_0 = arith.constant 0 : index
    %get3A_1 = vector.load %arg0[%get3A, %get3A_0] : memref<256x86xf32, #tpu.memory_space<vmem>>, vector<256x86xf32>
    %slice3A = vector.extract_strided_slice %get3A_1 {offsets = [0, 0], sizes = [256, 1], strides = [1, 1]} : vector<256x86xf32> to vector<256x1xf32>
    %convert_element_type3A = arith.fptosi %slice3A : vector<256x1xf32> to vector<256x1xi32>
    %slice3A_2 = vector.extract_strided_slice %get3A_1 {offsets = [0, 1], sizes = [256, 1], strides = [1, 1]} : vector<256x86xf32> to vector<256x1xf32>
    %mul3A = arith.constant 5.200000e+01 : f32
    %mul3A_3 = vector.broadcast %mul3A : f32 to vector<256x1xf32>
    %mul3A_4 = arith.mulf %slice3A_2, %mul3A_3 : vector<256x1xf32>
    %slice3A_5 = vector.extract_strided_slice %get3A_1 {offsets = [0, 2], sizes = [256, 1], strides = [1, 1]} : vector<256x86xf32> to vector<256x1xf32>
    %mul3A_6 = arith.constant 5.200000e+01 : f32
    %mul3A_7 = vector.broadcast %mul3A_6 : f32 to vector<256x1xf32>
    %mul3A_8 = arith.mulf %slice3A_5, %mul3A_7 : vector<256x1xf32>
    %slice3A_9 = vector.extract_strided_slice %get3A_1 {offsets = [0, 3], sizes = [256, 1], strides = [1, 1]} : vector<256x86xf32> to vector<256x1xf32>
    %slice3A_10 = vector.extract_strided_slice %get3A_1 {offsets = [0, 4], sizes = [256, 1], strides = [1, 1]} : vector<256x86xf32> to vector<256x1xf32>
    %slice3A_11 = vector.extract_strided_slice %get3A_1 {offsets = [0, 5], sizes = [256, 1], strides = [1, 1]} : vector<256x86xf32> to vector<256x1xf32>
    %convert_element_type3A_12 = arith.fptosi %mul3A_4 : vector<256x1xf32> to vector<256x1xi32>
    %convert_element_type3A_13 = arith.fptosi %mul3A_8 : vector<256x1xf32> to vector<256x1xi32>
    %get3A_14 = arith.constant 0 : index
    %get3A_15 = arith.constant 0 : index
    %get3A_16 = memref.load %arg1[%get3A_14, %get3A_15] : memref<3x2xf32, #tpu.memory_space<smem>>
    %get3A_17 = arith.constant 0 : index
    %get3A_18 = arith.constant 1 : index
    %get3A_19 = memref.load %arg1[%get3A_17, %get3A_18] : memref<3x2xf32, #tpu.memory_space<smem>>
    %get3A_20 = arith.constant 1 : index
    %get3A_21 = arith.constant 0 : index
    %get3A_22 = memref.load %arg1[%get3A_20, %get3A_21] : memref<3x2xf32, #tpu.memory_space<smem>>
    %get3A_23 = arith.constant 1 : index
    %get3A_24 = arith.constant 1 : index
    %get3A_25 = memref.load %arg1[%get3A_23, %get3A_24] : memref<3x2xf32, #tpu.memory_space<smem>>
    %get3A_26 = arith.constant 2 : index
    %get3A_27 = arith.constant 0 : index
    %get3A_28 = memref.load %arg1[%get3A_26, %get3A_27] : memref<3x2xf32, #tpu.memory_space<smem>>
    %get3A_29 = arith.constant 2 : index
    %get3A_30 = arith.constant 1 : index
    %get3A_31 = memref.load %arg1[%get3A_29, %get3A_30] : memref<3x2xf32, #tpu.memory_space<smem>>
    %min3A = vector.broadcast %get3A_16 : f32 to vector<256x1xf32>
    %min3A_32 = arith.minimumf %min3A, %slice3A_9 : vector<256x1xf32>
    %min3A_33 = vector.broadcast %get3A_19 : f32 to vector<256x1xf32>
    %min3A_34 = arith.minimumf %min3A_33, %slice3A_10 : vector<256x1xf32>
    %mul3A_35 = arith.mulf %min3A_32, %min3A_34 : vector<256x1xf32>
    %mul3A_36 = arith.mulf %slice3A_9, %slice3A_10 : vector<256x1xf32>
    %mul3A_37 = arith.mulf %get3A_16, %get3A_19 : f32
    %add3A = vector.broadcast %mul3A_37 : f32 to vector<256x1xf32>
    %add3A_38 = arith.addf %mul3A_36, %add3A : vector<256x1xf32>
    %sub3A = arith.subf %add3A_38, %mul3A_35 : vector<256x1xf32>
    %add3A_39 = arith.constant 1.000000e-16 : f32
    %add3A_40 = vector.broadcast %add3A_39 : f32 to vector<256x1xf32>
    %add3A_41 = arith.addf %sub3A, %add3A_40 : vector<256x1xf32>
    %div3A = arith.divf %mul3A_35, %add3A_41 : vector<256x1xf32>
    %min3A_42 = vector.broadcast %get3A_22 : f32 to vector<256x1xf32>
    %min3A_43 = arith.minimumf %min3A_42, %slice3A_9 : vector<256x1xf32>
    %min3A_44 = vector.broadcast %get3A_25 : f32 to vector<256x1xf32>
    %min3A_45 = arith.minimumf %min3A_44, %slice3A_10 : vector<256x1xf32>
    %mul3A_46 = arith.mulf %min3A_43, %min3A_45 : vector<256x1xf32>
    %mul3A_47 = arith.mulf %slice3A_9, %slice3A_10 : vector<256x1xf32>
    %mul3A_48 = arith.mulf %get3A_22, %get3A_25 : f32
    %add3A_49 = vector.broadcast %mul3A_48 : f32 to vector<256x1xf32>
    %add3A_50 = arith.addf %mul3A_47, %add3A_49 : vector<256x1xf32>
    %sub3A_51 = arith.subf %add3A_50, %mul3A_46 : vector<256x1xf32>
    %add3A_52 = arith.constant 1.000000e-16 : f32
    %add3A_53 = vector.broadcast %add3A_52 : f32 to vector<256x1xf32>
    %add3A_54 = arith.addf %sub3A_51, %add3A_53 : vector<256x1xf32>
    %div3A_55 = arith.divf %mul3A_46, %add3A_54 : vector<256x1xf32>
    %min3A_56 = vector.broadcast %get3A_28 : f32 to vector<256x1xf32>
    %min3A_57 = arith.minimumf %min3A_56, %slice3A_9 : vector<256x1xf32>
    %min3A_58 = vector.broadcast %get3A_31 : f32 to vector<256x1xf32>
    %min3A_59 = arith.minimumf %min3A_58, %slice3A_10 : vector<256x1xf32>
    %mul3A_60 = arith.mulf %min3A_57, %min3A_59 : vector<256x1xf32>
    %mul3A_61 = arith.mulf %slice3A_9, %slice3A_10 : vector<256x1xf32>
    %mul3A_62 = arith.mulf %get3A_28, %get3A_31 : f32
    %add3A_63 = vector.broadcast %mul3A_62 : f32 to vector<256x1xf32>
    %add3A_64 = arith.addf %mul3A_61, %add3A_63 : vector<256x1xf32>
    %sub3A_65 = arith.subf %add3A_64, %mul3A_60 : vector<256x1xf32>
    %add3A_66 = arith.constant 1.000000e-16 : f32
    %add3A_67 = vector.broadcast %add3A_66 : f32 to vector<256x1xf32>
    %add3A_68 = arith.addf %sub3A_65, %add3A_67 : vector<256x1xf32>
    %div3A_69 = arith.divf %mul3A_60, %add3A_68 : vector<256x1xf32>
    %ge3A = arith.cmpf oge, %div3A, %div3A_55 : vector<256x1xf32>
    %ge3A_70 = arith.cmpf oge, %div3A, %div3A_69 : vector<256x1xf32>
    %jit3A = arith.constant 0 : i32
    %jit3A_71 = arith.constant 2 : i32
    %broadcast_in_dim3A = vector.broadcast %jit3A : i32 to vector<256x1xi32>
    %broadcast_in_dim3A_72 = vector.broadcast %jit3A_71 : i32 to vector<256x1xi32>
    %select_n3A = arith.select %ge3A_70, %broadcast_in_dim3A, %broadcast_in_dim3A_72 : vector<256x1xi1>, vector<256x1xi32>
    %ge3A_73 = arith.cmpf oge, %div3A_55, %div3A_69 : vector<256x1xf32>
    %jit3A_74 = arith.constant 1 : i32
    %jit3A_75 = arith.constant 2 : i32
    %broadcast_in_dim3A_76 = vector.broadcast %jit3A_74 : i32 to vector<256x1xi32>
    %broadcast_in_dim3A_77 = vector.broadcast %jit3A_75 : i32 to vector<256x1xi32>
    %select_n3A_78 = arith.select %ge3A_73, %broadcast_in_dim3A_76, %broadcast_in_dim3A_77 : vector<256x1xi1>, vector<256x1xi32>
    %select_n3A_79 = arith.select %ge3A, %select_n3A, %select_n3A_78 : vector<256x1xi1>, vector<256x1xi32>
    %mul3A_80 = arith.constant 52 : i32
    %mul3A_81 = vector.broadcast %mul3A_80 : i32 to vector<256x1xi32>
    %mul3A_82 = arith.muli %convert_element_type3A_13, %mul3A_81 : vector<256x1xi32>
    %add3A_83 = arith.addi %mul3A_82, %convert_element_type3A_12 : vector<256x1xi32>
    %mul3A_84 = arith.constant 3 : i32
    %mul3A_85 = vector.broadcast %mul3A_84 : i32 to vector<256x1xi32>
    %mul3A_86 = arith.muli %convert_element_type3A, %mul3A_85 : vector<256x1xi32>
    %add3A_87 = arith.addi %mul3A_86, %select_n3A_79 : vector<256x1xi32>
    %mul3A_88 = arith.constant 2704 : i32
    %mul3A_89 = vector.broadcast %mul3A_88 : i32 to vector<256x1xi32>
    %mul3A_90 = arith.muli %add3A_87, %mul3A_89 : vector<256x1xi32>
    %add3A_91 = arith.addi %mul3A_90, %add3A_83 : vector<256x1xi32>
    %iota3A = tpu.iota {dimensions = array<i32: 0>} : vector<256x256xi32>
    %iota3A_92 = tpu.iota {dimensions = array<i32: 1>} : vector<256x256xi32>
    %transpose3A = tpu.transpose %add3A_91, [1, 0] : vector<256x1xi32> -> vector<1x256xi32>
    %eq3A = vector.broadcast %add3A_91 : vector<256x1xi32> to vector<256x256xi32>
    %eq3A_93 = vector.broadcast %transpose3A : vector<1x256xi32> to vector<256x256xi32>
    %eq3A_94 = arith.cmpi eq, %eq3A, %eq3A_93 : vector<256x256xi32>
    %gt3A = arith.cmpi sgt, %iota3A_92, %iota3A : vector<256x256xi32>
    %and3A = arith.andi %eq3A_94, %gt3A : vector<256x256xi1>
    %reduce_or3A = arith.constant 1.000000e+00 : f32
    %reduce_or3A_95 = arith.constant 0.000000e+00 : f32
    %reduce_or3A_96 = vector.broadcast %reduce_or3A : f32 to vector<256x256xf32>
    %reduce_or3A_97 = vector.broadcast %reduce_or3A_95 : f32 to vector<256x256xf32>
    %reduce_or3A_98 = arith.select %and3A, %reduce_or3A_96, %reduce_or3A_97 : vector<256x256xi1>, vector<256x256xf32>
    %reduce_or3A_99 = arith.constant dense<0xFF800000> : vector<256xf32>
    %reduce_or3A_100 = vector.multi_reduction <maximumf>, %reduce_or3A_98, %reduce_or3A_99 [1] : vector<256x256xf32> to vector<256xf32>
    %reduce_or3A_101 = arith.constant 0.000000e+00 : f32
    %reduce_or3A_102 = vector.broadcast %reduce_or3A_101 : f32 to vector<256xf32>
    %reduce_or3A_103 = arith.cmpf ogt, %reduce_or3A_100, %reduce_or3A_102 : vector<256xf32>
    %broadcast_in_dim3A_104 = vector.shape_cast %reduce_or3A_103 : vector<256xi1> to vector<256x1xi1>
    %not3A = arith.constant dense<true> : vector<256x1xi1>
    %not3A_105 = arith.xori %broadcast_in_dim3A_104, %not3A : vector<256x1xi1>
    %gt3A_106 = arith.constant 5.000000e-01 : f32
    %gt3A_107 = vector.broadcast %gt3A_106 : f32 to vector<256x1xf32>
    %gt3A_108 = arith.cmpf ogt, %slice3A_11, %gt3A_107 : vector<256x1xf32>
    %transpose3A_109 = tpu.transpose %gt3A_108, [1, 0] : vector<256x1xi1> -> vector<1x256xi1>
    %and3A_110 = vector.broadcast %transpose3A_109 : vector<1x256xi1> to vector<256x256xi1>
    %and3A_111 = arith.andi %eq3A_94, %and3A_110 : vector<256x256xi1>
    %reduce_or3A_112 = arith.constant 1.000000e+00 : f32
    %reduce_or3A_113 = arith.constant 0.000000e+00 : f32
    %reduce_or3A_114 = vector.broadcast %reduce_or3A_112 : f32 to vector<256x256xf32>
    %reduce_or3A_115 = vector.broadcast %reduce_or3A_113 : f32 to vector<256x256xf32>
    %reduce_or3A_116 = arith.select %and3A_111, %reduce_or3A_114, %reduce_or3A_115 : vector<256x256xi1>, vector<256x256xf32>
    %reduce_or3A_117 = arith.constant dense<0xFF800000> : vector<256xf32>
    %reduce_or3A_118 = vector.multi_reduction <maximumf>, %reduce_or3A_116, %reduce_or3A_117 [1] : vector<256x256xf32> to vector<256xf32>
    %reduce_or3A_119 = arith.constant 0.000000e+00 : f32
    %reduce_or3A_120 = vector.broadcast %reduce_or3A_119 : f32 to vector<256xf32>
    %reduce_or3A_121 = arith.cmpf ogt, %reduce_or3A_118, %reduce_or3A_120 : vector<256xf32>
    %broadcast_in_dim3A_122 = vector.shape_cast %reduce_or3A_121 : vector<256xi1> to vector<256x1xi1>
    %not3A_123 = arith.constant dense<true> : vector<1x256xi1>
    %not3A_124 = arith.xori %transpose3A_109, %not3A_123 : vector<1x256xi1>
    %and3A_125 = vector.broadcast %not3A_124 : vector<1x256xi1> to vector<256x256xi1>
    %and3A_126 = arith.andi %eq3A_94, %and3A_125 : vector<256x256xi1>
    %reduce_or3A_127 = arith.constant 1.000000e+00 : f32
    %reduce_or3A_128 = arith.constant 0.000000e+00 : f32
    %reduce_or3A_129 = vector.broadcast %reduce_or3A_127 : f32 to vector<256x256xf32>
    %reduce_or3A_130 = vector.broadcast %reduce_or3A_128 : f32 to vector<256x256xf32>
    %reduce_or3A_131 = arith.select %and3A_126, %reduce_or3A_129, %reduce_or3A_130 : vector<256x256xi1>, vector<256x256xf32>
    %reduce_or3A_132 = arith.constant dense<0xFF800000> : vector<256xf32>
    %reduce_or3A_133 = vector.multi_reduction <maximumf>, %reduce_or3A_131, %reduce_or3A_132 [1] : vector<256x256xf32> to vector<256xf32>
    %reduce_or3A_134 = arith.constant 0.000000e+00 : f32
    %reduce_or3A_135 = vector.broadcast %reduce_or3A_134 : f32 to vector<256xf32>
    %reduce_or3A_136 = arith.cmpf ogt, %reduce_or3A_133, %reduce_or3A_135 : vector<256xf32>
    %broadcast_in_dim3A_137 = vector.shape_cast %reduce_or3A_136 : vector<256xi1> to vector<256x1xi1>
    %floor3A = math.floor %mul3A_4 : vector<256x1xf32>
    %sub3A_138 = arith.subf %mul3A_4, %floor3A : vector<256x1xf32>
    %floor3A_139 = math.floor %mul3A_8 : vector<256x1xf32>
    %sub3A_140 = arith.subf %mul3A_8, %floor3A_139 : vector<256x1xf32>
    %eq3A_141 = arith.constant 0 : i32
    %eq3A_142 = vector.broadcast %eq3A_141 : i32 to vector<256x1xi32>
    %eq3A_143 = arith.cmpi eq, %select_n3A_79, %eq3A_142 : vector<256x1xi32>
    %eq3A_144 = arith.constant 1 : i32
    %eq3A_145 = vector.broadcast %eq3A_144 : i32 to vector<256x1xi32>
    %eq3A_146 = arith.cmpi eq, %select_n3A_79, %eq3A_145 : vector<256x1xi32>
    %broadcast_in_dim3A_147 = vector.broadcast %get3A_22 : f32 to vector<256x1xf32>
    %broadcast_in_dim3A_148 = vector.broadcast %get3A_28 : f32 to vector<256x1xf32>
    %select_n3A_149 = arith.select %eq3A_146, %broadcast_in_dim3A_147, %broadcast_in_dim3A_148 : vector<256x1xi1>, vector<256x1xf32>
    %broadcast_in_dim3A_150 = vector.broadcast %get3A_16 : f32 to vector<256x1xf32>
    %select_n3A_151 = arith.select %eq3A_143, %broadcast_in_dim3A_150, %select_n3A_149 : vector<256x1xi1>, vector<256x1xf32>
    %eq3A_152 = arith.constant 0 : i32
    %eq3A_153 = vector.broadcast %eq3A_152 : i32 to vector<256x1xi32>
    %eq3A_154 = arith.cmpi eq, %select_n3A_79, %eq3A_153 : vector<256x1xi32>
    %eq3A_155 = arith.constant 1 : i32
    %eq3A_156 = vector.broadcast %eq3A_155 : i32 to vector<256x1xi32>
    %eq3A_157 = arith.cmpi eq, %select_n3A_79, %eq3A_156 : vector<256x1xi32>
    %broadcast_in_dim3A_158 = vector.broadcast %get3A_25 : f32 to vector<256x1xf32>
    %broadcast_in_dim3A_159 = vector.broadcast %get3A_31 : f32 to vector<256x1xf32>
    %select_n3A_160 = arith.select %eq3A_157, %broadcast_in_dim3A_158, %broadcast_in_dim3A_159 : vector<256x1xi1>, vector<256x1xf32>
    %broadcast_in_dim3A_161 = vector.broadcast %get3A_19 : f32 to vector<256x1xf32>
    %select_n3A_162 = arith.select %eq3A_154, %broadcast_in_dim3A_161, %select_n3A_160 : vector<256x1xi1>, vector<256x1xf32>
    %div3A_163 = arith.divf %slice3A_9, %select_n3A_151 : vector<256x1xf32>
    %add3A_164 = arith.constant 1.000000e-16 : f32
    %add3A_165 = vector.broadcast %add3A_164 : f32 to vector<256x1xf32>
    %add3A_166 = arith.addf %div3A_163, %add3A_165 : vector<256x1xf32>
    %log3A = math.log %add3A_166 : vector<256x1xf32>
    %div3A_167 = arith.divf %slice3A_10, %select_n3A_162 : vector<256x1xf32>
    %add3A_168 = arith.constant 1.000000e-16 : f32
    %add3A_169 = vector.broadcast %add3A_168 : f32 to vector<256x1xf32>
    %add3A_170 = arith.addf %div3A_167, %add3A_169 : vector<256x1xf32>
    %log3A_171 = math.log %add3A_170 : vector<256x1xf32>
    %broadcast_in_dim3A_172 = arith.constant 0.000000e+00 : f32
    %broadcast_in_dim3A_173 = vector.broadcast %broadcast_in_dim3A_172 : f32 to vector<256x1xf32>
    %convert_element_type3A_174 = arith.extui %not3A_105 : vector<256x1xi1> to vector<256x1xi32>
    %convert_element_type3A_175 = arith.sitofp %convert_element_type3A_174 : vector<256x1xi32> to vector<256x1xf32>
    %convert_element_type3A_176 = arith.extui %broadcast_in_dim3A_122 : vector<256x1xi1> to vector<256x1xi32>
    %convert_element_type3A_177 = arith.sitofp %convert_element_type3A_176 : vector<256x1xi32> to vector<256x1xf32>
    %convert_element_type3A_178 = arith.extui %broadcast_in_dim3A_137 : vector<256x1xi1> to vector<256x1xi32>
    %convert_element_type3A_179 = arith.sitofp %convert_element_type3A_178 : vector<256x1xi32> to vector<256x1xf32>
    %jit3A_180 = arith.constant 8 : i32
    %eq3A_181 = arith.constant 0 : i32
    %eq3A_182 = arith.cmpi eq, %jit3A_180, %eq3A_181 : i32
    %jit3A_183 = arith.constant 1 : i32
    %select_n3A_184 = arith.select %eq3A_182, %jit3A_183, %jit3A_180 : i32
    %rem3A = vector.broadcast %select_n3A_184 : i32 to vector<256x1xi32>
    %rem3A_185 = arith.remsi %convert_element_type3A, %rem3A : vector<256x1xi32>
    %ne3A = arith.constant 0 : i32
    %ne3A_186 = vector.broadcast %ne3A : i32 to vector<256x1xi32>
    %ne3A_187 = arith.cmpi ne, %rem3A_185, %ne3A_186 : vector<256x1xi32>
    %lt3A = arith.constant 0 : i32
    %lt3A_188 = vector.broadcast %lt3A : i32 to vector<256x1xi32>
    %lt3A_189 = arith.cmpi slt, %rem3A_185, %lt3A_188 : vector<256x1xi32>
    %lt3A_190 = arith.constant 0 : i32
    %lt3A_191 = arith.cmpi slt, %select_n3A_184, %lt3A_190 : i32
    %ne3A_192 = vector.broadcast %lt3A_191 : i1 to vector<256x1xi1>
    %ne3A_193 = vector.broadcast %ne3A_192 : vector<256x1xi1> to vector<256x1xi1>
    %ne3A_194 = arith.xori %lt3A_189, %ne3A_193 : vector<256x1xi1>
    %and3A_195 = arith.andi %ne3A_194, %ne3A_187 : vector<256x1xi1>
    %add3A_196 = vector.broadcast %select_n3A_184 : i32 to vector<256x1xi32>
    %add3A_197 = arith.addi %rem3A_185, %add3A_196 : vector<256x1xi32>
    %select_n3A_198 = arith.select %and3A_195, %add3A_197, %rem3A_185 : vector<256x1xi1>, vector<256x1xi32>
    %convert_element_type3A_199 = arith.sitofp %select_n3A_198 : vector<256x1xi32> to vector<256x1xf32>
    %convert_element_type3A_200 = arith.sitofp %select_n3A_79 : vector<256x1xi32> to vector<256x1xf32>
    %concatenate3A = tpu.concatenate %convert_element_type3A_175, %convert_element_type3A_177, %convert_element_type3A_179, %sub3A_138, %sub3A_140, %log3A, %log3A_171, %convert_element_type3A_199, %convert_element_type3A_200, %broadcast_in_dim3A_173, %broadcast_in_dim3A_173, %broadcast_in_dim3A_173, %broadcast_in_dim3A_173, %broadcast_in_dim3A_173, %broadcast_in_dim3A_173, %broadcast_in_dim3A_173 in 1 : vector<256x1xf32>, vector<256x1xf32>, vector<256x1xf32>, vector<256x1xf32>, vector<256x1xf32>, vector<256x1xf32>, vector<256x1xf32>, vector<256x1xf32>, vector<256x1xf32>, vector<256x1xf32>, vector<256x1xf32>, vector<256x1xf32>, vector<256x1xf32>, vector<256x1xf32>, vector<256x1xf32>, vector<256x1xf32> -> vector<256x16xf32>
    %swap3A = arith.constant 0 : index
    %swap3A_201 = arith.constant 0 : index
    %swap3A_202 = vector.load %arg2[%swap3A, %swap3A_201] : memref<256x16xf32, #tpu.memory_space<vmem>>, vector<256x16xf32>
    tpu.vector_store %arg2[%swap3A, %swap3A_201], %concatenate3A {strides = array<i32>} : memref<256x16xf32, #tpu.memory_space<vmem>>, vector<256x16xf32>,
    %mul3A_203 = arith.constant 3 : i32
    %mul3A_204 = vector.broadcast %mul3A_203 : i32 to vector<256x1xi32>
    %mul3A_205 = arith.muli %convert_element_type3A, %mul3A_204 : vector<256x1xi32>
    %mul3A_206 = arith.constant 2704 : i32
    %mul3A_207 = vector.broadcast %mul3A_206 : i32 to vector<256x1xi32>
    %mul3A_208 = arith.muli %mul3A_205, %mul3A_207 : vector<256x1xi32>
    %add3A_209 = arith.addi %mul3A_208, %add3A_83 : vector<256x1xi32>
    %add3A_210 = arith.constant 0 : i32
    %add3A_211 = vector.broadcast %add3A_210 : i32 to vector<256x1xi32>
    %add3A_212 = arith.addi %add3A_209, %add3A_211 : vector<256x1xi32>
    %add3A_213 = arith.constant 2704 : i32
    %add3A_214 = vector.broadcast %add3A_213 : i32 to vector<256x1xi32>
    %add3A_215 = arith.addi %add3A_209, %add3A_214 : vector<256x1xi32>
    %add3A_216 = arith.constant 5408 : i32
    %add3A_217 = vector.broadcast %add3A_216 : i32 to vector<256x1xi32>
    %add3A_218 = arith.addi %add3A_209, %add3A_217 : vector<256x1xi32>
    %concatenate3A_219 = tpu.concatenate %add3A_91, %add3A_212, %add3A_215, %add3A_218 in 0 : vector<256x1xi32>, vector<256x1xi32>, vector<256x1xi32>, vector<256x1xi32> -> vector<1024x1xi32>
    %broadcast_in_dim3A_220 = arith.constant true
    %broadcast_in_dim3A_221 = vector.broadcast %broadcast_in_dim3A_220 : i1 to vector<256x1xi1>
    %gt3A_222 = arith.constant 5.000000e-01 : f32
    %gt3A_223 = vector.broadcast %gt3A_222 : f32 to vector<256x1xf32>
    %gt3A_224 = arith.cmpf ogt, %div3A, %gt3A_223 : vector<256x1xf32>
    %gt3A_225 = arith.constant 5.000000e-01 : f32
    %gt3A_226 = vector.broadcast %gt3A_225 : f32 to vector<256x1xf32>
    %gt3A_227 = arith.cmpf ogt, %div3A_55, %gt3A_226 : vector<256x1xf32>
    %gt3A_228 = arith.constant 5.000000e-01 : f32
    %gt3A_229 = vector.broadcast %gt3A_228 : f32 to vector<256x1xf32>
    %gt3A_230 = arith.cmpf ogt, %div3A_69, %gt3A_229 : vector<256x1xf32>
    %concatenate3A_231 = tpu.concatenate %broadcast_in_dim3A_221, %gt3A_224, %gt3A_227, %gt3A_230 in 0 : vector<256x1xi1>, vector<256x1xi1>, vector<256x1xi1>, vector<256x1xi1> -> vector<1024x1xi1>
    %iota3A_232 = tpu.iota {dimensions = array<i32: 0>} : vector<1024x1024xi32>
    %iota3A_233 = tpu.iota {dimensions = array<i32: 1>} : vector<1024x1024xi32>
    %transpose3A_234 = tpu.transpose %concatenate3A_219, [1, 0] : vector<1024x1xi32> -> vector<1x1024xi32>
    %eq3A_235 = vector.broadcast %concatenate3A_219 : vector<1024x1xi32> to vector<1024x1024xi32>
    %eq3A_236 = vector.broadcast %transpose3A_234 : vector<1x1024xi32> to vector<1024x1024xi32>
    %eq3A_237 = arith.cmpi eq, %eq3A_235, %eq3A_236 : vector<1024x1024xi32>
    %and3A_238 = vector.broadcast %concatenate3A_231 : vector<1024x1xi1> to vector<1024x1024xi1>
    %and3A_239 = arith.andi %eq3A_237, %and3A_238 : vector<1024x1024xi1>
    %transpose3A_240 = tpu.transpose %concatenate3A_231, [1, 0] : vector<1024x1xi1> -> vector<1x1024xi1>
    %and3A_241 = vector.broadcast %transpose3A_240 : vector<1x1024xi1> to vector<1024x1024xi1>
    %and3A_242 = arith.andi %and3A_239, %and3A_241 : vector<1024x1024xi1>
    %lt3A_243 = arith.cmpi slt, %iota3A_233, %iota3A_232 : vector<1024x1024xi32>
    %and3A_244 = arith.andi %and3A_242, %lt3A_243 : vector<1024x1024xi1>
    %reduce_or3A_245 = arith.constant 1.000000e+00 : f32
    %reduce_or3A_246 = arith.constant 0.000000e+00 : f32
    %reduce_or3A_247 = vector.broadcast %reduce_or3A_245 : f32 to vector<1024x1024xf32>
    %reduce_or3A_248 = vector.broadcast %reduce_or3A_246 : f32 to vector<1024x1024xf32>
    %reduce_or3A_249 = arith.select %and3A_244, %reduce_or3A_247, %reduce_or3A_248 : vector<1024x1024xi1>, vector<1024x1024xf32>
    %reduce_or3A_250 = arith.constant dense<0xFF800000> : vector<1024xf32>
    %reduce_or3A_251 = vector.multi_reduction <maximumf>, %reduce_or3A_249, %reduce_or3A_250 [1] : vector<1024x1024xf32> to vector<1024xf32>
    %reduce_or3A_252 = arith.constant 0.000000e+00 : f32
    %reduce_or3A_253 = vector.broadcast %reduce_or3A_252 : f32 to vector<1024xf32>
    %reduce_or3A_254 = arith.cmpf ogt, %reduce_or3A_251, %reduce_or3A_253 : vector<1024xf32>
    %broadcast_in_dim3A_255 = vector.shape_cast %reduce_or3A_254 : vector<1024xi1> to vector<1024x1xi1>
    %not3A_256 = arith.constant dense<true> : vector<1024x1xi1>
    %not3A_257 = arith.xori %broadcast_in_dim3A_255, %not3A_256 : vector<1024x1xi1>
    %and3A_258 = arith.andi %concatenate3A_231, %not3A_257 : vector<1024x1xi1>
    %convert_element_type3A_259 = arith.extui %and3A_258 : vector<1024x1xi1> to vector<1024x1xi32>
    %convert_element_type3A_260 = arith.sitofp %convert_element_type3A_259 : vector<1024x1xi32> to vector<1024x1xf32>
    %swap3A_261 = arith.constant 0 : index
    %swap3A_262 = arith.constant 0 : index
    %swap3A_263 = vector.load %arg3[%swap3A_261, %swap3A_262] : memref<1024x1xf32, #tpu.memory_space<vmem>>, vector<1024x1xf32>
    tpu.vector_store %arg3[%swap3A_261, %swap3A_262], %convert_element_type3A_260 {strides = array<i32>} : memref<1024x1xf32, #tpu.memory_space<vmem>>, vector<1024x1xf32>,
    %jit3A_264 = arith.constant 0 : i32
    %broadcast_in_dim3A_265 = vector.broadcast %jit3A_264 : i32 to vector<1024x1xi32>
    %select_n3A_266 = arith.select %concatenate3A_231, %concatenate3A_219, %broadcast_in_dim3A_265 : vector<1024x1xi1>, vector<1024x1xi32>
    %swap3A_267 = arith.constant 0 : index
    %swap3A_268 = arith.constant 0 : index
    %swap3A_269 = vector.load %arg4[%swap3A_267, %swap3A_268] : memref<1024x1xi32, #tpu.memory_space<vmem>>, vector<1024x1xi32>
    tpu.vector_store %arg4[%swap3A_267, %swap3A_268], %select_n3A_266 {strides = array<i32>} : memref<1024x1xi32, #tpu.memory_space<vmem>>, vector<1024x1xi32>,
    %jit3A_270 = arith.constant 8 : i32
    %div3A_271 = vector.broadcast %jit3A_270 : i32 to vector<256x1xi32>
    %div3A_272 = arith.divsi %convert_element_type3A, %div3A_271 : vector<256x1xi32>
    %sign3A = arith.constant 0 : i32
    %sign3A_273 = vector.broadcast %sign3A : i32 to vector<256x1xi32>
    %sign3A_274 = arith.cmpi sgt, %convert_element_type3A, %sign3A_273 : vector<256x1xi32>
    %sign3A_275 = arith.extui %sign3A_274 : vector<256x1xi1> to vector<256x1xi32>
    %sign3A_276 = arith.constant 0 : i32
    %sign3A_277 = vector.broadcast %sign3A_276 : i32 to vector<256x1xi32>
    %sign3A_278 = arith.cmpi slt, %convert_element_type3A, %sign3A_277 : vector<256x1xi32>
    %sign3A_279 = arith.extui %sign3A_278 : vector<256x1xi1> to vector<256x1xi32>
    %sign3A_280 = arith.subi %sign3A_275, %sign3A_279 : vector<256x1xi32>
    %sign3A_281 = arith.constant 0 : i32
    %sign3A_282 = arith.cmpi sgt, %jit3A_270, %sign3A_281 : i32
    %sign3A_283 = arith.extui %sign3A_282 : i1 to i32
    %sign3A_284 = arith.constant 0 : i32
    %sign3A_285 = arith.cmpi slt, %jit3A_270, %sign3A_284 : i32
    %sign3A_286 = arith.extui %sign3A_285 : i1 to i32
    %sign3A_287 = arith.subi %sign3A_283, %sign3A_286 : i32
    %ne3A_288 = vector.broadcast %sign3A_287 : i32 to vector<256x1xi32>
    %ne3A_289 = arith.cmpi ne, %sign3A_280, %ne3A_288 : vector<256x1xi32>
    %rem3A_290 = vector.broadcast %jit3A_270 : i32 to vector<256x1xi32>
    %rem3A_291 = arith.remsi %convert_element_type3A, %rem3A_290 : vector<256x1xi32>
    %ne3A_292 = arith.constant 0 : i32
    %ne3A_293 = vector.broadcast %ne3A_292 : i32 to vector<256x1xi32>
    %ne3A_294 = arith.cmpi ne, %rem3A_291, %ne3A_293 : vector<256x1xi32>
    %and3A_295 = arith.andi %ne3A_289, %ne3A_294 : vector<256x1xi1>
    %sub3A_296 = arith.constant 1 : i32
    %sub3A_297 = vector.broadcast %sub3A_296 : i32 to vector<256x1xi32>
    %sub3A_298 = arith.subi %div3A_272, %sub3A_297 : vector<256x1xi32>
    %select_n3A_299 = arith.select %and3A_295, %sub3A_298, %div3A_272 : vector<256x1xi1>, vector<256x1xi32>
    %concatenate3A_300 = tpu.concatenate %add3A_83, %select_n3A_299 in 1 : vector<256x1xi32>, vector<256x1xi32> -> vector<256x2xi32>
    %swap3A_301 = arith.constant 0 : index
    %swap3A_302 = arith.constant 0 : index
    %swap3A_303 = vector.load %arg5[%swap3A_301, %swap3A_302] : memref<256x2xi32, #tpu.memory_space<vmem>>, vector<256x2xi32>
    tpu.vector_store %arg5[%swap3A_301, %swap3A_302], %concatenate3A_300 {strides = array<i32>} : memref<256x2xi32, #tpu.memory_space<vmem>>, vector<256x2xi32>,
    return
  }
}

module attributes {stable_mosaic.version = 14 : i64} {
  func.func @_gather_body(%arg0: i32, %arg1: memref<256x2xi32, #tpu.memory_space<smem>>, %arg2: memref<1x8x258xf32, #tpu.memory_space<vmem>>, %arg3: memref<1x8x258xf32, #tpu.memory_space<vmem>>, %arg4: memref<1x8x258xf32, #tpu.memory_space<vmem>>, %arg5: memref<1x8x258xf32, #tpu.memory_space<vmem>>, %arg6: memref<1x8x258xf32, #tpu.memory_space<vmem>>, %arg7: memref<1x8x258xf32, #tpu.memory_space<vmem>>, %arg8: memref<1x8x258xf32, #tpu.memory_space<vmem>>, %arg9: memref<1x8x258xf32, #tpu.memory_space<vmem>>, %arg10: memref<8x8x258xf32, #tpu.memory_space<vmem>>) attributes {dimension_semantics = [#tpu.dimension_semantics<arbitrary>], iteration_bounds = array<i64: 32>, scalar_prefetch = 1 : i64, scratch_operands = 0 : i64, tpu.core_type = #tpu.core_type<tc>, window_params = [{transform_indices = @transform_0, window_bounds = array<i64: 1, 8, 258>}, {transform_indices = @transform_1, window_bounds = array<i64: 1, 8, 258>}, {transform_indices = @transform_2, window_bounds = array<i64: 1, 8, 258>}, {transform_indices = @transform_3, window_bounds = array<i64: 1, 8, 258>}, {transform_indices = @transform_4, window_bounds = array<i64: 1, 8, 258>}, {transform_indices = @transform_5, window_bounds = array<i64: 1, 8, 258>}, {transform_indices = @transform_6, window_bounds = array<i64: 1, 8, 258>}, {transform_indices = @transform_7, window_bounds = array<i64: 1, 8, 258>}, {transform_indices = @transform_8, window_bounds = array<i64: 8, 8, 258>}]} {
    %get3A = arith.constant 0 : index
    %get3A_0 = arith.constant 0 : index
    %get3A_1 = arith.constant 0 : index
    %get3A_2 = vector.load %arg2[%get3A, %get3A_0, %get3A_1] : memref<1x8x258xf32, #tpu.memory_space<vmem>>, vector<1x8x258xf32>
    %get3A_3 = vector.shape_cast %get3A_2 : vector<1x8x258xf32> to vector<8x258xf32>
    %swap3A = arith.constant 0 : index
    %swap3A_4 = arith.constant 0 : index
    %swap3A_5 = arith.constant 0 : index
    %swap3A_6 = vector.load %arg10[%swap3A, %swap3A_4, %swap3A_5] : memref<8x8x258xf32, #tpu.memory_space<vmem>>, vector<1x8x258xf32>
    %swap3A_7 = vector.shape_cast %swap3A_6 : vector<1x8x258xf32> to vector<8x258xf32>
    %swap3A_8 = vector.shape_cast %get3A_3 : vector<8x258xf32> to vector<1x8x258xf32>
    tpu.vector_store %arg10[%swap3A, %swap3A_4, %swap3A_5], %swap3A_8 {strides = array<i32>} : memref<8x8x258xf32, #tpu.memory_space<vmem>>, vector<1x8x258xf32>,
    %get3A_9 = arith.constant 0 : index
    %get3A_10 = arith.constant 0 : index
    %get3A_11 = arith.constant 0 : index
    %get3A_12 = vector.load %arg3[%get3A_9, %get3A_10, %get3A_11] : memref<1x8x258xf32, #tpu.memory_space<vmem>>, vector<1x8x258xf32>
    %get3A_13 = vector.shape_cast %get3A_12 : vector<1x8x258xf32> to vector<8x258xf32>
    %swap3A_14 = arith.constant 1 : index
    %swap3A_15 = arith.constant 0 : index
    %swap3A_16 = arith.constant 0 : index
    %swap3A_17 = vector.load %arg10[%swap3A_14, %swap3A_15, %swap3A_16] : memref<8x8x258xf32, #tpu.memory_space<vmem>>, vector<1x8x258xf32>
    %swap3A_18 = vector.shape_cast %swap3A_17 : vector<1x8x258xf32> to vector<8x258xf32>
    %swap3A_19 = vector.shape_cast %get3A_13 : vector<8x258xf32> to vector<1x8x258xf32>
    tpu.vector_store %arg10[%swap3A_14, %swap3A_15, %swap3A_16], %swap3A_19 {strides = array<i32>} : memref<8x8x258xf32, #tpu.memory_space<vmem>>, vector<1x8x258xf32>,
    %get3A_20 = arith.constant 0 : index
    %get3A_21 = arith.constant 0 : index
    %get3A_22 = arith.constant 0 : index
    %get3A_23 = vector.load %arg4[%get3A_20, %get3A_21, %get3A_22] : memref<1x8x258xf32, #tpu.memory_space<vmem>>, vector<1x8x258xf32>
    %get3A_24 = vector.shape_cast %get3A_23 : vector<1x8x258xf32> to vector<8x258xf32>
    %swap3A_25 = arith.constant 2 : index
    %swap3A_26 = arith.constant 0 : index
    %swap3A_27 = arith.constant 0 : index
    %swap3A_28 = vector.load %arg10[%swap3A_25, %swap3A_26, %swap3A_27] : memref<8x8x258xf32, #tpu.memory_space<vmem>>, vector<1x8x258xf32>
    %swap3A_29 = vector.shape_cast %swap3A_28 : vector<1x8x258xf32> to vector<8x258xf32>
    %swap3A_30 = vector.shape_cast %get3A_24 : vector<8x258xf32> to vector<1x8x258xf32>
    tpu.vector_store %arg10[%swap3A_25, %swap3A_26, %swap3A_27], %swap3A_30 {strides = array<i32>} : memref<8x8x258xf32, #tpu.memory_space<vmem>>, vector<1x8x258xf32>,
    %get3A_31 = arith.constant 0 : index
    %get3A_32 = arith.constant 0 : index
    %get3A_33 = arith.constant 0 : index
    %get3A_34 = vector.load %arg5[%get3A_31, %get3A_32, %get3A_33] : memref<1x8x258xf32, #tpu.memory_space<vmem>>, vector<1x8x258xf32>
    %get3A_35 = vector.shape_cast %get3A_34 : vector<1x8x258xf32> to vector<8x258xf32>
    %swap3A_36 = arith.constant 3 : index
    %swap3A_37 = arith.constant 0 : index
    %swap3A_38 = arith.constant 0 : index
    %swap3A_39 = vector.load %arg10[%swap3A_36, %swap3A_37, %swap3A_38] : memref<8x8x258xf32, #tpu.memory_space<vmem>>, vector<1x8x258xf32>
    %swap3A_40 = vector.shape_cast %swap3A_39 : vector<1x8x258xf32> to vector<8x258xf32>
    %swap3A_41 = vector.shape_cast %get3A_35 : vector<8x258xf32> to vector<1x8x258xf32>
    tpu.vector_store %arg10[%swap3A_36, %swap3A_37, %swap3A_38], %swap3A_41 {strides = array<i32>} : memref<8x8x258xf32, #tpu.memory_space<vmem>>, vector<1x8x258xf32>,
    %get3A_42 = arith.constant 0 : index
    %get3A_43 = arith.constant 0 : index
    %get3A_44 = arith.constant 0 : index
    %get3A_45 = vector.load %arg6[%get3A_42, %get3A_43, %get3A_44] : memref<1x8x258xf32, #tpu.memory_space<vmem>>, vector<1x8x258xf32>
    %get3A_46 = vector.shape_cast %get3A_45 : vector<1x8x258xf32> to vector<8x258xf32>
    %swap3A_47 = arith.constant 4 : index
    %swap3A_48 = arith.constant 0 : index
    %swap3A_49 = arith.constant 0 : index
    %swap3A_50 = vector.load %arg10[%swap3A_47, %swap3A_48, %swap3A_49] : memref<8x8x258xf32, #tpu.memory_space<vmem>>, vector<1x8x258xf32>
    %swap3A_51 = vector.shape_cast %swap3A_50 : vector<1x8x258xf32> to vector<8x258xf32>
    %swap3A_52 = vector.shape_cast %get3A_46 : vector<8x258xf32> to vector<1x8x258xf32>
    tpu.vector_store %arg10[%swap3A_47, %swap3A_48, %swap3A_49], %swap3A_52 {strides = array<i32>} : memref<8x8x258xf32, #tpu.memory_space<vmem>>, vector<1x8x258xf32>,
    %get3A_53 = arith.constant 0 : index
    %get3A_54 = arith.constant 0 : index
    %get3A_55 = arith.constant 0 : index
    %get3A_56 = vector.load %arg7[%get3A_53, %get3A_54, %get3A_55] : memref<1x8x258xf32, #tpu.memory_space<vmem>>, vector<1x8x258xf32>
    %get3A_57 = vector.shape_cast %get3A_56 : vector<1x8x258xf32> to vector<8x258xf32>
    %swap3A_58 = arith.constant 5 : index
    %swap3A_59 = arith.constant 0 : index
    %swap3A_60 = arith.constant 0 : index
    %swap3A_61 = vector.load %arg10[%swap3A_58, %swap3A_59, %swap3A_60] : memref<8x8x258xf32, #tpu.memory_space<vmem>>, vector<1x8x258xf32>
    %swap3A_62 = vector.shape_cast %swap3A_61 : vector<1x8x258xf32> to vector<8x258xf32>
    %swap3A_63 = vector.shape_cast %get3A_57 : vector<8x258xf32> to vector<1x8x258xf32>
    tpu.vector_store %arg10[%swap3A_58, %swap3A_59, %swap3A_60], %swap3A_63 {strides = array<i32>} : memref<8x8x258xf32, #tpu.memory_space<vmem>>, vector<1x8x258xf32>,
    %get3A_64 = arith.constant 0 : index
    %get3A_65 = arith.constant 0 : index
    %get3A_66 = arith.constant 0 : index
    %get3A_67 = vector.load %arg8[%get3A_64, %get3A_65, %get3A_66] : memref<1x8x258xf32, #tpu.memory_space<vmem>>, vector<1x8x258xf32>
    %get3A_68 = vector.shape_cast %get3A_67 : vector<1x8x258xf32> to vector<8x258xf32>
    %swap3A_69 = arith.constant 6 : index
    %swap3A_70 = arith.constant 0 : index
    %swap3A_71 = arith.constant 0 : index
    %swap3A_72 = vector.load %arg10[%swap3A_69, %swap3A_70, %swap3A_71] : memref<8x8x258xf32, #tpu.memory_space<vmem>>, vector<1x8x258xf32>
    %swap3A_73 = vector.shape_cast %swap3A_72 : vector<1x8x258xf32> to vector<8x258xf32>
    %swap3A_74 = vector.shape_cast %get3A_68 : vector<8x258xf32> to vector<1x8x258xf32>
    tpu.vector_store %arg10[%swap3A_69, %swap3A_70, %swap3A_71], %swap3A_74 {strides = array<i32>} : memref<8x8x258xf32, #tpu.memory_space<vmem>>, vector<1x8x258xf32>,
    %get3A_75 = arith.constant 0 : index
    %get3A_76 = arith.constant 0 : index
    %get3A_77 = arith.constant 0 : index
    %get3A_78 = vector.load %arg9[%get3A_75, %get3A_76, %get3A_77] : memref<1x8x258xf32, #tpu.memory_space<vmem>>, vector<1x8x258xf32>
    %get3A_79 = vector.shape_cast %get3A_78 : vector<1x8x258xf32> to vector<8x258xf32>
    %swap3A_80 = arith.constant 7 : index
    %swap3A_81 = arith.constant 0 : index
    %swap3A_82 = arith.constant 0 : index
    %swap3A_83 = vector.load %arg10[%swap3A_80, %swap3A_81, %swap3A_82] : memref<8x8x258xf32, #tpu.memory_space<vmem>>, vector<1x8x258xf32>
    %swap3A_84 = vector.shape_cast %swap3A_83 : vector<1x8x258xf32> to vector<8x258xf32>
    %swap3A_85 = vector.shape_cast %get3A_79 : vector<8x258xf32> to vector<1x8x258xf32>
    tpu.vector_store %arg10[%swap3A_80, %swap3A_81, %swap3A_82], %swap3A_85 {strides = array<i32>} : memref<8x8x258xf32, #tpu.memory_space<vmem>>, vector<1x8x258xf32>,
    return
  }
  func.func @transform_0(%arg0: i32, %arg1: memref<256x2xi32, #tpu.memory_space<smem>>) -> (i32, i32, i32) {
    %mul3A = arith.constant 8 : i32
    %mul3A_0 = arith.muli %arg0, %mul3A : i32
    %add3A = arith.constant 0 : i32
    %add3A_1 = arith.addi %mul3A_0, %add3A : i32
    %get3A = arith.index_cast %add3A_1 : i32 to index
    %get3A_2 = arith.constant 0 : index
    %get3A_3 = memref.load %arg1[%get3A, %get3A_2] : memref<256x2xi32, #tpu.memory_space<smem>>
    %mul3A_4 = arith.constant 8 : i32
    %mul3A_5 = arith.muli %arg0, %mul3A_4 : i32
    %add3A_6 = arith.constant 0 : i32
    %add3A_7 = arith.addi %mul3A_5, %add3A_6 : i32
    %get3A_8 = arith.index_cast %add3A_7 : i32 to index
    %get3A_9 = arith.constant 1 : index
    %get3A_10 = memref.load %arg1[%get3A_8, %get3A_9] : memref<256x2xi32, #tpu.memory_space<smem>>
    %c0_i32 = arith.constant 0 : i32
    %c0_i32_11 = arith.constant 0 : i32
    return %get3A_3, %get3A_10, %c0_i32 : i32, i32, i32
  }
  func.func @transform_1(%arg0: i32, %arg1: memref<256x2xi32, #tpu.memory_space<smem>>) -> (i32, i32, i32) {
    %mul3A = arith.constant 8 : i32
    %mul3A_0 = arith.muli %arg0, %mul3A : i32
    %add3A = arith.constant 1 : i32
    %add3A_1 = arith.addi %mul3A_0, %add3A : i32
    %get3A = arith.index_cast %add3A_1 : i32 to index
    %get3A_2 = arith.constant 0 : index
    %get3A_3 = memref.load %arg1[%get3A, %get3A_2] : memref<256x2xi32, #tpu.memory_space<smem>>
    %mul3A_4 = arith.constant 8 : i32
    %mul3A_5 = arith.muli %arg0, %mul3A_4 : i32
    %add3A_6 = arith.constant 1 : i32
    %add3A_7 = arith.addi %mul3A_5, %add3A_6 : i32
    %get3A_8 = arith.index_cast %add3A_7 : i32 to index
    %get3A_9 = arith.constant 1 : index
    %get3A_10 = memref.load %arg1[%get3A_8, %get3A_9] : memref<256x2xi32, #tpu.memory_space<smem>>
    %c0_i32 = arith.constant 0 : i32
    %c0_i32_11 = arith.constant 0 : i32
    return %get3A_3, %get3A_10, %c0_i32 : i32, i32, i32
  }
  func.func @transform_2(%arg0: i32, %arg1: memref<256x2xi32, #tpu.memory_space<smem>>) -> (i32, i32, i32) {
    %mul3A = arith.constant 8 : i32
    %mul3A_0 = arith.muli %arg0, %mul3A : i32
    %add3A = arith.constant 2 : i32
    %add3A_1 = arith.addi %mul3A_0, %add3A : i32
    %get3A = arith.index_cast %add3A_1 : i32 to index
    %get3A_2 = arith.constant 0 : index
    %get3A_3 = memref.load %arg1[%get3A, %get3A_2] : memref<256x2xi32, #tpu.memory_space<smem>>
    %mul3A_4 = arith.constant 8 : i32
    %mul3A_5 = arith.muli %arg0, %mul3A_4 : i32
    %add3A_6 = arith.constant 2 : i32
    %add3A_7 = arith.addi %mul3A_5, %add3A_6 : i32
    %get3A_8 = arith.index_cast %add3A_7 : i32 to index
    %get3A_9 = arith.constant 1 : index
    %get3A_10 = memref.load %arg1[%get3A_8, %get3A_9] : memref<256x2xi32, #tpu.memory_space<smem>>
    %c0_i32 = arith.constant 0 : i32
    %c0_i32_11 = arith.constant 0 : i32
    return %get3A_3, %get3A_10, %c0_i32 : i32, i32, i32
  }
  func.func @transform_3(%arg0: i32, %arg1: memref<256x2xi32, #tpu.memory_space<smem>>) -> (i32, i32, i32) {
    %mul3A = arith.constant 8 : i32
    %mul3A_0 = arith.muli %arg0, %mul3A : i32
    %add3A = arith.constant 3 : i32
    %add3A_1 = arith.addi %mul3A_0, %add3A : i32
    %get3A = arith.index_cast %add3A_1 : i32 to index
    %get3A_2 = arith.constant 0 : index
    %get3A_3 = memref.load %arg1[%get3A, %get3A_2] : memref<256x2xi32, #tpu.memory_space<smem>>
    %mul3A_4 = arith.constant 8 : i32
    %mul3A_5 = arith.muli %arg0, %mul3A_4 : i32
    %add3A_6 = arith.constant 3 : i32
    %add3A_7 = arith.addi %mul3A_5, %add3A_6 : i32
    %get3A_8 = arith.index_cast %add3A_7 : i32 to index
    %get3A_9 = arith.constant 1 : index
    %get3A_10 = memref.load %arg1[%get3A_8, %get3A_9] : memref<256x2xi32, #tpu.memory_space<smem>>
    %c0_i32 = arith.constant 0 : i32
    %c0_i32_11 = arith.constant 0 : i32
    return %get3A_3, %get3A_10, %c0_i32 : i32, i32, i32
  }
  func.func @transform_4(%arg0: i32, %arg1: memref<256x2xi32, #tpu.memory_space<smem>>) -> (i32, i32, i32) {
    %mul3A = arith.constant 8 : i32
    %mul3A_0 = arith.muli %arg0, %mul3A : i32
    %add3A = arith.constant 4 : i32
    %add3A_1 = arith.addi %mul3A_0, %add3A : i32
    %get3A = arith.index_cast %add3A_1 : i32 to index
    %get3A_2 = arith.constant 0 : index
    %get3A_3 = memref.load %arg1[%get3A, %get3A_2] : memref<256x2xi32, #tpu.memory_space<smem>>
    %mul3A_4 = arith.constant 8 : i32
    %mul3A_5 = arith.muli %arg0, %mul3A_4 : i32
    %add3A_6 = arith.constant 4 : i32
    %add3A_7 = arith.addi %mul3A_5, %add3A_6 : i32
    %get3A_8 = arith.index_cast %add3A_7 : i32 to index
    %get3A_9 = arith.constant 1 : index
    %get3A_10 = memref.load %arg1[%get3A_8, %get3A_9] : memref<256x2xi32, #tpu.memory_space<smem>>
    %c0_i32 = arith.constant 0 : i32
    %c0_i32_11 = arith.constant 0 : i32
    return %get3A_3, %get3A_10, %c0_i32 : i32, i32, i32
  }
  func.func @transform_5(%arg0: i32, %arg1: memref<256x2xi32, #tpu.memory_space<smem>>) -> (i32, i32, i32) {
    %mul3A = arith.constant 8 : i32
    %mul3A_0 = arith.muli %arg0, %mul3A : i32
    %add3A = arith.constant 5 : i32
    %add3A_1 = arith.addi %mul3A_0, %add3A : i32
    %get3A = arith.index_cast %add3A_1 : i32 to index
    %get3A_2 = arith.constant 0 : index
    %get3A_3 = memref.load %arg1[%get3A, %get3A_2] : memref<256x2xi32, #tpu.memory_space<smem>>
    %mul3A_4 = arith.constant 8 : i32
    %mul3A_5 = arith.muli %arg0, %mul3A_4 : i32
    %add3A_6 = arith.constant 5 : i32
    %add3A_7 = arith.addi %mul3A_5, %add3A_6 : i32
    %get3A_8 = arith.index_cast %add3A_7 : i32 to index
    %get3A_9 = arith.constant 1 : index
    %get3A_10 = memref.load %arg1[%get3A_8, %get3A_9] : memref<256x2xi32, #tpu.memory_space<smem>>
    %c0_i32 = arith.constant 0 : i32
    %c0_i32_11 = arith.constant 0 : i32
    return %get3A_3, %get3A_10, %c0_i32 : i32, i32, i32
  }
  func.func @transform_6(%arg0: i32, %arg1: memref<256x2xi32, #tpu.memory_space<smem>>) -> (i32, i32, i32) {
    %mul3A = arith.constant 8 : i32
    %mul3A_0 = arith.muli %arg0, %mul3A : i32
    %add3A = arith.constant 6 : i32
    %add3A_1 = arith.addi %mul3A_0, %add3A : i32
    %get3A = arith.index_cast %add3A_1 : i32 to index
    %get3A_2 = arith.constant 0 : index
    %get3A_3 = memref.load %arg1[%get3A, %get3A_2] : memref<256x2xi32, #tpu.memory_space<smem>>
    %mul3A_4 = arith.constant 8 : i32
    %mul3A_5 = arith.muli %arg0, %mul3A_4 : i32
    %add3A_6 = arith.constant 6 : i32
    %add3A_7 = arith.addi %mul3A_5, %add3A_6 : i32
    %get3A_8 = arith.index_cast %add3A_7 : i32 to index
    %get3A_9 = arith.constant 1 : index
    %get3A_10 = memref.load %arg1[%get3A_8, %get3A_9] : memref<256x2xi32, #tpu.memory_space<smem>>
    %c0_i32 = arith.constant 0 : i32
    %c0_i32_11 = arith.constant 0 : i32
    return %get3A_3, %get3A_10, %c0_i32 : i32, i32, i32
  }
  func.func @transform_7(%arg0: i32, %arg1: memref<256x2xi32, #tpu.memory_space<smem>>) -> (i32, i32, i32) {
    %mul3A = arith.constant 8 : i32
    %mul3A_0 = arith.muli %arg0, %mul3A : i32
    %add3A = arith.constant 7 : i32
    %add3A_1 = arith.addi %mul3A_0, %add3A : i32
    %get3A = arith.index_cast %add3A_1 : i32 to index
    %get3A_2 = arith.constant 0 : index
    %get3A_3 = memref.load %arg1[%get3A, %get3A_2] : memref<256x2xi32, #tpu.memory_space<smem>>
    %mul3A_4 = arith.constant 8 : i32
    %mul3A_5 = arith.muli %arg0, %mul3A_4 : i32
    %add3A_6 = arith.constant 7 : i32
    %add3A_7 = arith.addi %mul3A_5, %add3A_6 : i32
    %get3A_8 = arith.index_cast %add3A_7 : i32 to index
    %get3A_9 = arith.constant 1 : index
    %get3A_10 = memref.load %arg1[%get3A_8, %get3A_9] : memref<256x2xi32, #tpu.memory_space<smem>>
    %c0_i32 = arith.constant 0 : i32
    %c0_i32_11 = arith.constant 0 : i32
    return %get3A_3, %get3A_10, %c0_i32 : i32, i32, i32
  }
  func.func @transform_8(%arg0: i32, %arg1: memref<256x2xi32, #tpu.memory_space<smem>>) -> (i32, i32, i32) {
    %c0_i32 = arith.constant 0 : i32
    %c0_i32_0 = arith.constant 0 : i32
    %c0_i32_1 = arith.constant 0 : i32
    return %arg0, %c0_i32, %c0_i32_0 : i32, i32, i32
  }
}

module attributes {stable_mosaic.version = 14 : i64} {
  func.func @_final_body(%arg0: memref<256x8x258xf32, #tpu.memory_space<vmem>>, %arg1: memref<256x16xf32, #tpu.memory_space<vmem>>, %arg2: memref<256x86xf32, #tpu.memory_space<vmem>>, %arg3: memref<1024x1xf32, #tpu.memory_space<vmem>>, %arg4: memref<1024x1xf32, #tpu.memory_space<vmem>>, %arg5: memref<1x1xf32, #tpu.memory_space<smem>>, %arg6: memref<1x1xf32, #tpu.memory_space<smem>>) attributes {dimension_semantics = [], scalar_prefetch = 0 : i64, scratch_operands = 0 : i64, tpu.core_type = #tpu.core_type<tc>} {
    %get3A = arith.constant 0 : index
    %get3A_0 = arith.constant 0 : index
    %get3A_1 = arith.constant 0 : index
    %get3A_2 = vector.load %arg0[%get3A, %get3A_0, %get3A_1] : memref<256x8x258xf32, #tpu.memory_space<vmem>>, vector<256x8x258xf32>
    %get3A_3 = arith.constant 0 : index
    %get3A_4 = arith.constant 0 : index
    %get3A_5 = vector.load %arg1[%get3A_3, %get3A_4] : memref<256x16xf32, #tpu.memory_space<vmem>>, vector<256x16xf32>
    %get3A_6 = arith.constant 0 : index
    %get3A_7 = arith.constant 0 : index
    %get3A_8 = vector.load %arg2[%get3A_6, %get3A_7] : memref<256x86xf32, #tpu.memory_space<vmem>>, vector<256x86xf32>
    %slice3A = vector.extract_strided_slice %get3A_5 {offsets = [0, 0], sizes = [256, 1], strides = [1, 1]} : vector<256x16xf32> to vector<256x1xf32>
    %slice3A_9 = vector.extract_strided_slice %get3A_5 {offsets = [0, 1], sizes = [256, 1], strides = [1, 1]} : vector<256x16xf32> to vector<256x1xf32>
    %slice3A_10 = vector.extract_strided_slice %get3A_5 {offsets = [0, 2], sizes = [256, 1], strides = [1, 1]} : vector<256x16xf32> to vector<256x1xf32>
    %slice3A_11 = vector.extract_strided_slice %get3A_5 {offsets = [0, 3], sizes = [256, 1], strides = [1, 1]} : vector<256x16xf32> to vector<256x1xf32>
    %slice3A_12 = vector.extract_strided_slice %get3A_5 {offsets = [0, 4], sizes = [256, 1], strides = [1, 1]} : vector<256x16xf32> to vector<256x1xf32>
    %slice3A_13 = vector.extract_strided_slice %get3A_5 {offsets = [0, 5], sizes = [256, 1], strides = [1, 1]} : vector<256x16xf32> to vector<256x1xf32>
    %slice3A_14 = vector.extract_strided_slice %get3A_5 {offsets = [0, 6], sizes = [256, 1], strides = [1, 1]} : vector<256x16xf32> to vector<256x1xf32>
    %slice3A_15 = vector.extract_strided_slice %get3A_5 {offsets = [0, 7], sizes = [256, 1], strides = [1, 1]} : vector<256x16xf32> to vector<256x1xf32>
    %slice3A_16 = vector.extract_strided_slice %get3A_5 {offsets = [0, 8], sizes = [256, 1], strides = [1, 1]} : vector<256x16xf32> to vector<256x1xf32>
    %slice3A_17 = vector.extract_strided_slice %get3A_8 {offsets = [0, 5], sizes = [256, 1], strides = [1, 1]} : vector<256x86xf32> to vector<256x1xf32>
    %iota3A = tpu.iota {dimensions = array<i32: 1>} : vector<256x8x1xi32>
    %convert_element_type3A = arith.sitofp %iota3A : vector<256x8x1xi32> to vector<256x8x1xf32>
    %broadcast_in_dim3A = vector.shape_cast %slice3A_15 : vector<256x1xf32> to vector<256x1x1xf32>
    %eq3A = vector.broadcast %broadcast_in_dim3A : vector<256x1x1xf32> to vector<256x8x1xf32>
    %eq3A_18 = arith.cmpf oeq, %convert_element_type3A, %eq3A : vector<256x8x1xf32>
    %jit3A = arith.constant 0.000000e+00 : f32
    %broadcast_in_dim3A_19 = vector.shape_cast %eq3A_18 : vector<256x8x1xi1> to vector<256x8x1xi1>
    %broadcast_in_dim3A_20 = vector.broadcast %broadcast_in_dim3A_19 : vector<256x8x1xi1> to vector<256x8x258xi1>
    %broadcast_in_dim3A_21 = vector.broadcast %jit3A : f32 to vector<256x8x258xf32>
    %select_n3A = arith.select %broadcast_in_dim3A_20, %get3A_2, %broadcast_in_dim3A_21 : vector<256x8x258xi1>, vector<256x8x258xf32>
    %reduce_sum3A = arith.constant dense<0.000000e+00> : vector<256x258xf32>
    %reduce_sum3A_22 = vector.multi_reduction <add>, %select_n3A, %reduce_sum3A [1] : vector<256x8x258xf32> to vector<256x258xf32>
    %eq3A_23 = arith.constant 0.000000e+00 : f32
    %eq3A_24 = vector.broadcast %eq3A_23 : f32 to vector<256x1xf32>
    %eq3A_25 = arith.cmpf oeq, %slice3A_16, %eq3A_24 : vector<256x1xf32>
    %slice3A_26 = vector.extract_strided_slice %reduce_sum3A_22 {offsets = [0, 0], sizes = [256, 86], strides = [1, 1]} : vector<256x258xf32> to vector<256x86xf32>
    %eq3A_27 = arith.constant 1.000000e+00 : f32
    %eq3A_28 = vector.broadcast %eq3A_27 : f32 to vector<256x1xf32>
    %eq3A_29 = arith.cmpf oeq, %slice3A_16, %eq3A_28 : vector<256x1xf32>
    %slice3A_30 = vector.extract_strided_slice %reduce_sum3A_22 {offsets = [0, 86], sizes = [256, 86], strides = [1, 1]} : vector<256x258xf32> to vector<256x86xf32>
    %slice3A_31 = vector.extract_strided_slice %reduce_sum3A_22 {offsets = [0, 172], sizes = [256, 86], strides = [1, 1]} : vector<256x258xf32> to vector<256x86xf32>
    %broadcast_in_dim3A_32 = vector.shape_cast %eq3A_29 : vector<256x1xi1> to vector<256x1xi1>
    %broadcast_in_dim3A_33 = vector.broadcast %broadcast_in_dim3A_32 : vector<256x1xi1> to vector<256x86xi1>
    %select_n3A_34 = arith.select %broadcast_in_dim3A_33, %slice3A_30, %slice3A_31 : vector<256x86xi1>, vector<256x86xf32>
    %broadcast_in_dim3A_35 = vector.shape_cast %eq3A_25 : vector<256x1xi1> to vector<256x1xi1>
    %broadcast_in_dim3A_36 = vector.broadcast %broadcast_in_dim3A_35 : vector<256x1xi1> to vector<256x86xi1>
    %select_n3A_37 = arith.select %broadcast_in_dim3A_36, %slice3A_26, %select_n3A_34 : vector<256x86xi1>, vector<256x86xf32>
    %neg3A = arith.constant 0.000000e+00 : f32
    %neg3A_38 = vector.broadcast %neg3A : f32 to vector<256x86xf32>
    %neg3A_39 = arith.subf %neg3A_38, %select_n3A_37 : vector<256x86xf32>
    %exp3A = math.exp %neg3A_39 : vector<256x86xf32>
    %add3A = arith.constant 1.000000e+00 : f32
    %add3A_40 = vector.broadcast %add3A : f32 to vector<256x86xf32>
    %add3A_41 = arith.addf %add3A_40, %exp3A : vector<256x86xf32>
    %div3A = arith.constant 1.000000e+00 : f32
    %div3A_42 = vector.broadcast %div3A : f32 to vector<256x86xf32>
    %div3A_43 = arith.divf %div3A_42, %add3A_41 : vector<256x86xf32>
    %slice3A_44 = vector.extract_strided_slice %div3A_43 {offsets = [0, 0], sizes = [256, 1], strides = [1, 1]} : vector<256x86xf32> to vector<256x1xf32>
    %slice3A_45 = vector.extract_strided_slice %div3A_43 {offsets = [0, 1], sizes = [256, 1], strides = [1, 1]} : vector<256x86xf32> to vector<256x1xf32>
    %slice3A_46 = vector.extract_strided_slice %select_n3A_37 {offsets = [0, 2], sizes = [256, 1], strides = [1, 1]} : vector<256x86xf32> to vector<256x1xf32>
    %slice3A_47 = vector.extract_strided_slice %select_n3A_37 {offsets = [0, 3], sizes = [256, 1], strides = [1, 1]} : vector<256x86xf32> to vector<256x1xf32>
    %slice3A_48 = vector.extract_strided_slice %div3A_43 {offsets = [0, 4], sizes = [256, 1], strides = [1, 1]} : vector<256x86xf32> to vector<256x1xf32>
    %slice3A_49 = vector.extract_strided_slice %div3A_43 {offsets = [0, 5], sizes = [256, 1], strides = [1, 1]} : vector<256x86xf32> to vector<256x1xf32>
    %slice3A_50 = vector.extract_strided_slice %div3A_43 {offsets = [0, 6], sizes = [256, 80], strides = [1, 1]} : vector<256x86xf32> to vector<256x80xf32>
    %reduce_sum3A_51 = vector.shape_cast %slice3A : vector<256x1xf32> to vector<1x256x1xf32>
    %reduce_sum3A_52 = arith.constant dense<0.000000e+00> : vector<1xf32>
    %reduce_sum3A_53 = vector.multi_reduction <add>, %reduce_sum3A_51, %reduce_sum3A_52 [1, 2] : vector<1x256x1xf32> to vector<1xf32>
    %reduce_sum3A_54 = vector.shape_cast %reduce_sum3A_53 : vector<1xf32> to vector<1x1x1xf32>
    %reduce_sum3A_55 = vector.extract %reduce_sum3A_54[0, 0, 0] : f32 from vector<1x1x1xf32>
    %max3A = arith.constant 1.000000e+00 : f32
    %max3A_56 = arith.maximumf %reduce_sum3A_55, %max3A : f32
    %sub3A = arith.subf %slice3A_44, %slice3A_11 : vector<256x1xf32>
    %integer_pow3A = arith.mulf %sub3A, %sub3A : vector<256x1xf32>
    %sub3A_57 = arith.subf %slice3A_45, %slice3A_12 : vector<256x1xf32>
    %integer_pow3A_58 = arith.mulf %sub3A_57, %sub3A_57 : vector<256x1xf32>
    %add3A_59 = arith.addf %integer_pow3A, %integer_pow3A_58 : vector<256x1xf32>
    %sub3A_60 = arith.subf %slice3A_46, %slice3A_13 : vector<256x1xf32>
    %integer_pow3A_61 = arith.mulf %sub3A_60, %sub3A_60 : vector<256x1xf32>
    %add3A_62 = arith.addf %add3A_59, %integer_pow3A_61 : vector<256x1xf32>
    %sub3A_63 = arith.subf %slice3A_47, %slice3A_14 : vector<256x1xf32>
    %integer_pow3A_64 = arith.mulf %sub3A_63, %sub3A_63 : vector<256x1xf32>
    %add3A_65 = arith.addf %add3A_62, %integer_pow3A_64 : vector<256x1xf32>
    %mul3A = arith.mulf %slice3A, %add3A_65 : vector<256x1xf32>
    %reduce_sum3A_66 = vector.shape_cast %mul3A : vector<256x1xf32> to vector<1x256x1xf32>
    %reduce_sum3A_67 = arith.constant dense<0.000000e+00> : vector<1xf32>
    %reduce_sum3A_68 = vector.multi_reduction <add>, %reduce_sum3A_66, %reduce_sum3A_67 [1, 2] : vector<1x256x1xf32> to vector<1xf32>
    %reduce_sum3A_69 = vector.shape_cast %reduce_sum3A_68 : vector<1xf32> to vector<1x1x1xf32>
    %reduce_sum3A_70 = vector.extract %reduce_sum3A_69[0, 0, 0] : f32 from vector<1x1x1xf32>
    %div3A_71 = arith.divf %reduce_sum3A_70, %max3A_56 : f32
    %log3A = math.log %slice3A_48 : vector<256x1xf32>
    %max3A_72 = arith.constant -1.000000e+02 : f32
    %max3A_73 = vector.broadcast %max3A_72 : f32 to vector<256x1xf32>
    %max3A_74 = arith.maximumf %log3A, %max3A_73 : vector<256x1xf32>
    %neg3A_75 = arith.constant 0.000000e+00 : f32
    %neg3A_76 = vector.broadcast %neg3A_75 : f32 to vector<256x1xf32>
    %neg3A_77 = arith.subf %neg3A_76, %max3A_74 : vector<256x1xf32>
    %mul3A_78 = arith.mulf %slice3A, %neg3A_77 : vector<256x1xf32>
    %reduce_sum3A_79 = vector.shape_cast %mul3A_78 : vector<256x1xf32> to vector<1x256x1xf32>
    %reduce_sum3A_80 = arith.constant dense<0.000000e+00> : vector<1xf32>
    %reduce_sum3A_81 = vector.multi_reduction <add>, %reduce_sum3A_79, %reduce_sum3A_80 [1, 2] : vector<1x256x1xf32> to vector<1xf32>
    %reduce_sum3A_82 = vector.shape_cast %reduce_sum3A_81 : vector<1xf32> to vector<1x1x1xf32>
    %reduce_sum3A_83 = vector.extract %reduce_sum3A_82[0, 0, 0] : f32 from vector<1x1x1xf32>
    %div3A_84 = arith.divf %reduce_sum3A_83, %max3A_56 : f32
    %log3A_85 = math.log %slice3A_49 : vector<256x1xf32>
    %max3A_86 = arith.constant -1.000000e+02 : f32
    %max3A_87 = vector.broadcast %max3A_86 : f32 to vector<256x1xf32>
    %max3A_88 = arith.maximumf %log3A_85, %max3A_87 : vector<256x1xf32>
    %sub3A_89 = arith.constant 1.000000e+00 : f32
    %sub3A_90 = vector.broadcast %sub3A_89 : f32 to vector<256x1xf32>
    %sub3A_91 = arith.subf %sub3A_90, %slice3A_49 : vector<256x1xf32>
    %log3A_92 = math.log %sub3A_91 : vector<256x1xf32>
    %max3A_93 = arith.constant -1.000000e+02 : f32
    %max3A_94 = vector.broadcast %max3A_93 : f32 to vector<256x1xf32>
    %max3A_95 = arith.maximumf %log3A_92, %max3A_94 : vector<256x1xf32>
    %mul3A_96 = arith.mulf %slice3A_17, %max3A_88 : vector<256x1xf32>
    %sub3A_97 = arith.constant 1.000000e+00 : f32
    %sub3A_98 = vector.broadcast %sub3A_97 : f32 to vector<256x1xf32>
    %sub3A_99 = arith.subf %sub3A_98, %slice3A_17 : vector<256x1xf32>
    %mul3A_100 = arith.mulf %sub3A_99, %max3A_95 : vector<256x1xf32>
    %add3A_101 = arith.addf %mul3A_96, %mul3A_100 : vector<256x1xf32>
    %neg3A_102 = arith.constant 0.000000e+00 : f32
    %neg3A_103 = vector.broadcast %neg3A_102 : f32 to vector<256x1xf32>
    %neg3A_104 = arith.subf %neg3A_103, %add3A_101 : vector<256x1xf32>
    %mul3A_105 = arith.mulf %slice3A, %neg3A_104 : vector<256x1xf32>
    %reduce_sum3A_106 = vector.shape_cast %mul3A_105 : vector<256x1xf32> to vector<1x256x1xf32>
    %reduce_sum3A_107 = arith.constant dense<0.000000e+00> : vector<1xf32>
    %reduce_sum3A_108 = vector.multi_reduction <add>, %reduce_sum3A_106, %reduce_sum3A_107 [1, 2] : vector<1x256x1xf32> to vector<1xf32>
    %reduce_sum3A_109 = vector.shape_cast %reduce_sum3A_108 : vector<1xf32> to vector<1x1x1xf32>
    %reduce_sum3A_110 = vector.extract %reduce_sum3A_109[0, 0, 0] : f32 from vector<1x1x1xf32>
    %div3A_111 = arith.divf %reduce_sum3A_110, %max3A_56 : f32
    %slice3A_112 = vector.extract_strided_slice %get3A_8 {offsets = [0, 6], sizes = [256, 80], strides = [1, 1]} : vector<256x86xf32> to vector<256x80xf32>
    %log3A_113 = math.log %slice3A_50 : vector<256x80xf32>
    %max3A_114 = arith.constant -1.000000e+02 : f32
    %max3A_115 = vector.broadcast %max3A_114 : f32 to vector<256x80xf32>
    %max3A_116 = arith.maximumf %log3A_113, %max3A_115 : vector<256x80xf32>
    %sub3A_117 = arith.constant 1.000000e+00 : f32
    %sub3A_118 = vector.broadcast %sub3A_117 : f32 to vector<256x80xf32>
    %sub3A_119 = arith.subf %sub3A_118, %slice3A_50 : vector<256x80xf32>
    %log3A_120 = math.log %sub3A_119 : vector<256x80xf32>
    %max3A_121 = arith.constant -1.000000e+02 : f32
    %max3A_122 = vector.broadcast %max3A_121 : f32 to vector<256x80xf32>
    %max3A_123 = arith.maximumf %log3A_120, %max3A_122 : vector<256x80xf32>
    %mul3A_124 = arith.mulf %slice3A_112, %max3A_116 : vector<256x80xf32>
    %sub3A_125 = arith.constant 1.000000e+00 : f32
    %sub3A_126 = vector.broadcast %sub3A_125 : f32 to vector<256x80xf32>
    %sub3A_127 = arith.subf %sub3A_126, %slice3A_112 : vector<256x80xf32>
    %mul3A_128 = arith.mulf %sub3A_127, %max3A_123 : vector<256x80xf32>
    %add3A_129 = arith.addf %mul3A_124, %mul3A_128 : vector<256x80xf32>
    %neg3A_130 = arith.constant 0.000000e+00 : f32
    %neg3A_131 = vector.broadcast %neg3A_130 : f32 to vector<256x80xf32>
    %neg3A_132 = arith.subf %neg3A_131, %add3A_129 : vector<256x80xf32>
    %iota3A_133 = tpu.iota {dimensions = array<i32: 1>} : vector<1x80xi32>
    %lt3A = arith.constant 40 : i32
    %lt3A_134 = vector.broadcast %lt3A : i32 to vector<1x80xi32>
    %lt3A_135 = arith.cmpi slt, %iota3A_133, %lt3A_134 : vector<1x80xi32>
    %convert_element_type3A_136 = arith.extui %lt3A_135 : vector<1x80xi1> to vector<1x80xi32>
    %convert_element_type3A_137 = arith.sitofp %convert_element_type3A_136 : vector<1x80xi32> to vector<1x80xf32>
    %mul3A_138 = vector.broadcast %convert_element_type3A_137 : vector<1x80xf32> to vector<256x80xf32>
    %mul3A_139 = arith.mulf %neg3A_132, %mul3A_138 : vector<256x80xf32>
    %reduce_sum3A_140 = arith.constant dense<0.000000e+00> : vector<256xf32>
    %reduce_sum3A_141 = vector.multi_reduction <add>, %mul3A_139, %reduce_sum3A_140 [1] : vector<256x80xf32> to vector<256xf32>
    %broadcast_in_dim3A_142 = vector.shape_cast %reduce_sum3A_141 : vector<256xf32> to vector<256x1xf32>
    %sub3A_143 = arith.constant 1.000000e+00 : f32
    %sub3A_144 = vector.broadcast %sub3A_143 : f32 to vector<1x80xf32>
    %sub3A_145 = arith.subf %sub3A_144, %convert_element_type3A_137 : vector<1x80xf32>
    %mul3A_146 = vector.broadcast %sub3A_145 : vector<1x80xf32> to vector<256x80xf32>
    %mul3A_147 = arith.mulf %neg3A_132, %mul3A_146 : vector<256x80xf32>
    %reduce_sum3A_148 = arith.constant dense<0.000000e+00> : vector<256xf32>
    %reduce_sum3A_149 = vector.multi_reduction <add>, %mul3A_147, %reduce_sum3A_148 [1] : vector<256x80xf32> to vector<256xf32>
    %broadcast_in_dim3A_150 = vector.shape_cast %reduce_sum3A_149 : vector<256xf32> to vector<256x1xf32>
    %mul3A_151 = arith.mulf %slice3A, %slice3A_9 : vector<256x1xf32>
    %reduce_sum3A_152 = vector.shape_cast %mul3A_151 : vector<256x1xf32> to vector<1x256x1xf32>
    %reduce_sum3A_153 = arith.constant dense<0.000000e+00> : vector<1xf32>
    %reduce_sum3A_154 = vector.multi_reduction <add>, %reduce_sum3A_152, %reduce_sum3A_153 [1, 2] : vector<1x256x1xf32> to vector<1xf32>
    %reduce_sum3A_155 = vector.shape_cast %reduce_sum3A_154 : vector<1xf32> to vector<1x1x1xf32>
    %reduce_sum3A_156 = vector.extract %reduce_sum3A_155[0, 0, 0] : f32 from vector<1x1x1xf32>
    %mul3A_157 = arith.mulf %slice3A, %slice3A_10 : vector<256x1xf32>
    %reduce_sum3A_158 = vector.shape_cast %mul3A_157 : vector<256x1xf32> to vector<1x256x1xf32>
    %reduce_sum3A_159 = arith.constant dense<0.000000e+00> : vector<1xf32>
    %reduce_sum3A_160 = vector.multi_reduction <add>, %reduce_sum3A_158, %reduce_sum3A_159 [1, 2] : vector<1x256x1xf32> to vector<1xf32>
    %reduce_sum3A_161 = vector.shape_cast %reduce_sum3A_160 : vector<1xf32> to vector<1x1x1xf32>
    %reduce_sum3A_162 = vector.extract %reduce_sum3A_161[0, 0, 0] : f32 from vector<1x1x1xf32>
    %gt3A = arith.constant 0.000000e+00 : f32
    %gt3A_163 = arith.cmpf ogt, %reduce_sum3A_156, %gt3A : f32
    %mul3A_164 = arith.mulf %slice3A, %slice3A_9 : vector<256x1xf32>
    %mul3A_165 = arith.mulf %mul3A_164, %broadcast_in_dim3A_142 : vector<256x1xf32>
    %reduce_sum3A_166 = vector.shape_cast %mul3A_165 : vector<256x1xf32> to vector<1x256x1xf32>
    %reduce_sum3A_167 = arith.constant dense<0.000000e+00> : vector<1xf32>
    %reduce_sum3A_168 = vector.multi_reduction <add>, %reduce_sum3A_166, %reduce_sum3A_167 [1, 2] : vector<1x256x1xf32> to vector<1xf32>
    %reduce_sum3A_169 = vector.shape_cast %reduce_sum3A_168 : vector<1xf32> to vector<1x1x1xf32>
    %reduce_sum3A_170 = vector.extract %reduce_sum3A_169[0, 0, 0] : f32 from vector<1x1x1xf32>
    %mul3A_171 = arith.constant 4.000000e+01 : f32
    %mul3A_172 = arith.mulf %mul3A_171, %reduce_sum3A_156 : f32
    %max3A_173 = arith.constant 1.000000e+00 : f32
    %max3A_174 = arith.maximumf %mul3A_172, %max3A_173 : f32
    %div3A_175 = arith.divf %reduce_sum3A_170, %max3A_174 : f32
    %jit3A_176 = arith.constant 0.000000e+00 : f32
    %select_n3A_177 = arith.select %gt3A_163, %div3A_175, %jit3A_176 : f32
    %gt3A_178 = arith.constant 0.000000e+00 : f32
    %gt3A_179 = arith.cmpf ogt, %reduce_sum3A_162, %gt3A_178 : f32
    %mul3A_180 = arith.mulf %slice3A, %slice3A_10 : vector<256x1xf32>
    %mul3A_181 = arith.mulf %mul3A_180, %broadcast_in_dim3A_150 : vector<256x1xf32>
    %reduce_sum3A_182 = vector.shape_cast %mul3A_181 : vector<256x1xf32> to vector<1x256x1xf32>
    %reduce_sum3A_183 = arith.constant dense<0.000000e+00> : vector<1xf32>
    %reduce_sum3A_184 = vector.multi_reduction <add>, %reduce_sum3A_182, %reduce_sum3A_183 [1, 2] : vector<1x256x1xf32> to vector<1xf32>
    %reduce_sum3A_185 = vector.shape_cast %reduce_sum3A_184 : vector<1xf32> to vector<1x1x1xf32>
    %reduce_sum3A_186 = vector.extract %reduce_sum3A_185[0, 0, 0] : f32 from vector<1x1x1xf32>
    %mul3A_187 = arith.constant 4.000000e+01 : f32
    %mul3A_188 = arith.mulf %mul3A_187, %reduce_sum3A_162 : f32
    %max3A_189 = arith.constant 1.000000e+00 : f32
    %max3A_190 = arith.maximumf %mul3A_188, %max3A_189 : f32
    %div3A_191 = arith.divf %reduce_sum3A_186, %max3A_190 : f32
    %jit3A_192 = arith.constant 0.000000e+00 : f32
    %select_n3A_193 = arith.select %gt3A_179, %div3A_191, %jit3A_192 : f32
    %get3A_194 = arith.constant 0 : index
    %get3A_195 = arith.constant 0 : index
    %get3A_196 = vector.load %arg3[%get3A_194, %get3A_195] : memref<1024x1xf32, #tpu.memory_space<vmem>>, vector<1024x1xf32>
    %get3A_197 = arith.constant 0 : index
    %get3A_198 = arith.constant 0 : index
    %get3A_199 = vector.load %arg4[%get3A_197, %get3A_198] : memref<1024x1xf32, #tpu.memory_space<vmem>>, vector<1024x1xf32>
    %neg3A_200 = arith.constant 0.000000e+00 : f32
    %neg3A_201 = vector.broadcast %neg3A_200 : f32 to vector<1024x1xf32>
    %neg3A_202 = arith.subf %neg3A_201, %get3A_196 : vector<1024x1xf32>
    %exp3A_203 = math.exp %neg3A_202 : vector<1024x1xf32>
    %add3A_204 = arith.constant 1.000000e+00 : f32
    %add3A_205 = vector.broadcast %add3A_204 : f32 to vector<1024x1xf32>
    %add3A_206 = arith.addf %add3A_205, %exp3A_203 : vector<1024x1xf32>
    %div3A_207 = arith.constant 1.000000e+00 : f32
    %div3A_208 = vector.broadcast %div3A_207 : f32 to vector<1024x1xf32>
    %div3A_209 = arith.divf %div3A_208, %add3A_206 : vector<1024x1xf32>
    %sub3A_210 = arith.constant 1.000000e+00 : f32
    %sub3A_211 = vector.broadcast %sub3A_210 : f32 to vector<1024x1xf32>
    %sub3A_212 = arith.subf %sub3A_211, %div3A_209 : vector<1024x1xf32>
    %log3A_213 = math.log %sub3A_212 : vector<1024x1xf32>
    %max3A_214 = arith.constant -1.000000e+02 : f32
    %max3A_215 = vector.broadcast %max3A_214 : f32 to vector<1024x1xf32>
    %max3A_216 = arith.maximumf %log3A_213, %max3A_215 : vector<1024x1xf32>
    %neg3A_217 = arith.constant 0.000000e+00 : f32
    %neg3A_218 = vector.broadcast %neg3A_217 : f32 to vector<1024x1xf32>
    %neg3A_219 = arith.subf %neg3A_218, %max3A_216 : vector<1024x1xf32>
    %mul3A_220 = arith.mulf %get3A_199, %neg3A_219 : vector<1024x1xf32>
    %reduce_sum3A_221 = vector.shape_cast %mul3A_220 : vector<1024x1xf32> to vector<1x1024x1xf32>
    %reduce_sum3A_222 = arith.constant dense<0.000000e+00> : vector<1xf32>
    %reduce_sum3A_223 = vector.multi_reduction <add>, %reduce_sum3A_221, %reduce_sum3A_222 [1, 2] : vector<1x1024x1xf32> to vector<1xf32>
    %reduce_sum3A_224 = vector.shape_cast %reduce_sum3A_223 : vector<1xf32> to vector<1x1x1xf32>
    %reduce_sum3A_225 = vector.extract %reduce_sum3A_224[0, 0, 0] : f32 from vector<1x1x1xf32>
    %reduce_sum3A_226 = vector.shape_cast %get3A_199 : vector<1024x1xf32> to vector<1x1024x1xf32>
    %reduce_sum3A_227 = arith.constant dense<0.000000e+00> : vector<1xf32>
    %reduce_sum3A_228 = vector.multi_reduction <add>, %reduce_sum3A_226, %reduce_sum3A_227 [1, 2] : vector<1x1024x1xf32> to vector<1xf32>
    %reduce_sum3A_229 = vector.shape_cast %reduce_sum3A_228 : vector<1xf32> to vector<1x1x1xf32>
    %reduce_sum3A_230 = vector.extract %reduce_sum3A_229[0, 0, 0] : f32 from vector<1x1x1xf32>
    %get3A_231 = arith.constant 0 : index
    %get3A_232 = arith.constant 0 : index
    %get3A_233 = memref.load %arg5[%get3A_231, %get3A_232] : memref<1x1xf32, #tpu.memory_space<smem>>
    %sub3A_234 = arith.subf %get3A_233, %reduce_sum3A_225 : f32
    %sub3A_235 = arith.constant 2.595840e+05 : f32
    %sub3A_236 = arith.subf %sub3A_235, %reduce_sum3A_230 : f32
    %max3A_237 = arith.constant 1.000000e+00 : f32
    %max3A_238 = arith.maximumf %sub3A_236, %max3A_237 : f32
    %div3A_239 = arith.divf %sub3A_234, %max3A_238 : f32
    %mul3A_240 = arith.constant 1.000000e+01 : f32
    %mul3A_241 = arith.mulf %mul3A_240, %div3A_239 : f32
    %add3A_242 = arith.addf %div3A_84, %mul3A_241 : f32
    %add3A_243 = arith.addf %div3A_71, %add3A_242 : f32
    %add3A_244 = arith.addf %add3A_243, %div3A_111 : f32
    %add3A_245 = arith.addf %add3A_244, %select_n3A_177 : f32
    %add3A_246 = arith.addf %add3A_245, %select_n3A_193 : f32
    %swap3A = arith.constant 0 : index
    %swap3A_247 = arith.constant 0 : index
    %swap3A_248 = memref.load %arg6[%swap3A, %swap3A_247] : memref<1x1xf32, #tpu.memory_space<smem>>
    memref.store %add3A_246, %arg6[%swap3A, %swap3A_247] : memref<1x1xf32, #tpu.memory_space<smem>>
    return
  }
}

</mosaic_0001>

<sc_bundles>
// kernel: kernel.7.cloned.1.call-start
scs
__scs_entry_jumppad:
0x0: {  	(pc) =	sbr.rel $0x88, $3  }
0x1: {  	(tag) =	ssettag $0x0;
	lr =	simm.s32 $0x1  }
0x2: {  	[smem:$0x3F9E] =	sst lr;
	_ =	strace $0xD0000000  }
0x3: {  	_ = 	snop  }
0x4: {  	_ = 	snop  }
0x5: {  	_ = 	snop  }
0x6: {  	_ = 	snop  }
0x7: {  	_ = 	snop  }
__scs_overlays_trampoline_lowered:
0x8: {  	[smem:$0x3FAD] =	sst s0  }
0x9: {  	[smem:$0x3FAE] =	sst s1  }
0xa: {  	[smem:$0x3FAF] =	sst s2  }
0xb: {  	[smem:$0x3FB0] =	sst s3  }
0xc: {  	[smem:$0x3FB1] =	sst s4  }
0xd: {  	[smem:$0x3FB2] =	sst s5  }
0xe: {  	[smem:$0x3FB3] =	sst s6  }
0xf: {  	[smem:$0x3FB4] =	sst s7  }
0x10: {  	[smem:$0x3FB5] =	sst s8  }
0x11: {  	[smem:$0x3FB6] =	sst s9;
	s0 =	simm.s32 @!p0 $0x0  }
0x12: {  	s1 =	sld [smem:$0x3F9C];
	s0 =	simm.s32 @p0 $0x1  }
0x13: {  	[smem:$0x3FB7] =	sst s0;
	s0 =	simm.s32 @!p1 $0x0  }
0x14: {  	s2 =	sld [smem:$0x3F9B];
	s0 =	simm.s32 @p1 $0x1  }
0x15: {  	[smem:$0x3FB8] =	sst s0;
	s0 =	simm.s32 @!p2 $0x0  }
0x16: {  	s3 =	sld [smem:$0x3FDB];
	s0 =	simm.s32 @p2 $0x1  }
0x17: {  	s4 =	simm.s32 $0x1BF5;
	[smem:$0x3FBA] =	sst s0  }
0x18: {  	s0 =	sld [smem:$0x3F9D];
	_ =	swait.ge [sflag:s4], $0x0  }
0x19: {  	s7 =	sld [smem:$0x3F9E]  }
0x1a: {  	s8 =	sadd.s32 $0xFFFFE003, lr  }
0x1b: {  	s9 =	sadd.s32 $0xFFFFFEF7, lr;
	s5 =	simm.s32 $0xFFFFFFFF;
	p2 =	slt.u32 s8, $0xFFFFF086  }
0x1c: {  	p1 =	slt.u32 s9, $0xF7A;
	s5 =	simm.s32 @!p2 $0x0  }
0x1d: {  	s5 =	simm.s32 @p1 $0x1;
	p0 =	seq.s32 s7, s2  }
0x1e: {  	s7 =	smul.u32 @!p0 $0xF7A, s2;
	p2 =	seq.s32 @!p0 s5, $0x0  }
0x1f: {  	s9 =	smul.u32 $0xF7A, s1;
	s8 =	simm.s32 @!p0 $0x1BF5;
	p2 =	por !p2, p0  }
0x20: {  	[sflag:s8] =	ssyncset.s32 @!p0 $0xFFFFF086;
	s6 =	sadd.s32 @!p0 s3, s7;
	s7 =	simm.s32 @!p0 $0x108  }
0x21: {  	s3 =	sadd.s32 s3, s9;
	s6 =	sadd.s32 @!p0 $0x88, s6;
	s7 =	simm.s32 @p2 $0x1082  }
0x22: {  	[simem:s7], [sflag:s8] =	dma.local @!p0 [hbm:s6], $0xF7A  }
0x23: {  	s9 =	sor.u32 $0xD0000000, s2;
	s6 =	simm.s32 $0x108;
	_ =	swait.ge @!p0 [sflag:s8], $0x0  }
0x24: {  	s3 =	sadd.s32 $0x88, s3;
	s6 =	simm.s32 @!p1 $0x1082;
	[sflag:s4] =	ssyncset.s32 $0xFFFFF086  }
0x25: {  	[simem:s6], [sflag:s4] =	dma.local [hbm:s3], $0xF7A  }
0x26: {  	[smem:$0x3F9E] =	sst s1;
	(tag) =	ssettag s2;
	_ =	strace s9  }
0x27: {  	s1 =	sld [smem:$0x3FAE]  }
0x28: {  	s2 =	sld [smem:$0x3FAF]  }
0x29: {  	s4 =	sld [smem:$0x3FB1]  }
0x2a: {  	p0 =	seq.s32 s5, $0x0;
	s5 =	sld [smem:$0x3FB2]  }
0x2b: {  	s6 =	sld [smem:$0x3FB3]  }
0x2c: {  	s7 =	sld [smem:$0x3FB4]  }
0x2d: {  	s3 =	simm.s32 $0x108;
	s8 =	sld [smem:$0x3FB5]  }
0x2e: {  	s3 =	simm.s32 @!p0 $0x1082;
	s9 =	sld [smem:$0x3FB6]  }
0x2f: {  	lr =	sadd.s32 s0, s3;
	s0 =	sld [smem:$0x3FAD]  }
0x30: {  	s3 =	sld [smem:$0x3FB0]  }
0x31: {  	[smem:$0x3FB9] =	sst s10  }
0x32: {  	s10 =	sld [smem:$0x3FB7];
	_ =	sdelay $0x3  }
0x33: {  	p0 =	seq.s32 s10, $0x1;
	s10 =	sld [smem:$0x3FB9];
	_ =	sdelay $0x3  }
0x34: {  	[smem:$0x3FB9] =	sst s10  }
0x35: {  	s10 =	sld [smem:$0x3FB8];
	_ =	sdelay $0x3  }
0x36: {  	p1 =	seq.s32 s10, $0x1;
	s10 =	sld [smem:$0x3FB9];
	_ =	sdelay $0x3  }
0x37: {  	[smem:$0x3FB9] =	sst s10  }
0x38: {  	s10 =	sld [smem:$0x3FBA]  }
0x39: {  	_ = 	snop;
	(pc) =	sbr.ind lr, $3  }
0x3a: {  	_ = 	snop  }
0x3b: {  	_ = 	snop  }
0x3c: {  	p2 =	seq.s32 s10, $0x1;
	s10 =	sld [smem:$0x3FB9]  }
0x3d: {  	_ =	shalt  }
0x3e: {  	_ =	shalt  }
0x3f: {  	_ =	shalt  }
0x40: {  	_ =	shalt  }
0x41: {  	_ =	shalt  }
0x42: {  	_ =	shalt  }
0x43: {  	_ =	shalt  }
0x44: {  	_ =	shalt  }
0x45: {  	_ =	shalt  }
0x46: {  	_ =	shalt  }
0x47: {  	_ =	shalt  }
0x48: {  	_ =	shalt  }
0x49: {  	_ =	shalt  }
0x4a: {  	_ =	shalt  }
0x4b: {  	_ =	shalt  }
0x4c: {  	_ =	shalt  }
0x4d: {  	_ =	shalt  }
0x4e: {  	_ =	shalt  }
0x4f: {  	_ =	shalt  }
0x50: {  	_ =	shalt  }
0x51: {  	_ =	shalt  }
0x52: {  	_ =	shalt  }
0x53: {  	_ =	shalt  }
0x54: {  	_ =	shalt  }
0x55: {  	_ =	shalt  }
0x56: {  	_ =	shalt  }
0x57: {  	_ =	shalt  }
0x58: {  	_ =	shalt  }
0x59: {  	_ =	shalt  }
0x5a: {  	_ =	shalt  }
0x5b: {  	_ =	shalt  }
0x5c: {  	_ =	shalt  }
0x5d: {  	_ =	shalt  }
0x5e: {  	_ =	shalt  }
0x5f: {  	_ =	shalt  }
0x60: {  	_ =	shalt  }
0x61: {  	_ =	shalt  }
0x62: {  	_ =	shalt  }
0x63: {  	_ =	shalt  }
0x64: {  	_ =	shalt  }
0x65: {  	_ =	shalt  }
0x66: {  	_ =	shalt  }
0x67: {  	_ =	shalt  }
0x68: {  	_ =	shalt  }
0x69: {  	_ =	shalt  }
0x6a: {  	_ =	shalt  }
0x6b: {  	_ =	shalt  }
0x6c: {  	_ =	shalt  }
0x6d: {  	_ =	shalt  }
0x6e: {  	_ =	shalt  }
0x6f: {  	_ =	shalt  }
0x70: {  	_ =	shalt  }
0x71: {  	_ =	shalt  }
0x72: {  	_ =	shalt  }
0x73: {  	_ =	shalt  }
0x74: {  	_ =	shalt  }
0x75: {  	_ =	shalt  }
0x76: {  	_ =	shalt  }
0x77: {  	_ =	shalt  }
0x78: {  	_ =	shalt  }
0x79: {  	_ =	shalt  }
0x7a: {  	_ =	shalt  }
0x7b: {  	_ =	shalt  }
0x7c: {  	_ =	shalt  }
0x7d: {  	_ =	shalt  }
0x7e: {  	_ =	shalt  }
0x7f: {  	_ =	shalt  }
0x80: {  	_ =	shalt  }
0x81: {  	_ =	shalt  }
0x82: {  	_ =	shalt  }
0x83: {  	_ =	shalt  }
0x84: {  	_ =	shalt  }
0x85: {  	_ =	shalt  }
0x86: {  	_ =	shalt  }
0x87: {  	_ =	shalt  }
.Lfunc_end0:
.L_simem_size_0:
called_computation.1_lowered:
.L_overlay_start_0:
0x88: {  	s0 =	sld [smem:$0x3FD9]  }
0x89: {  	s1 =	sld [smem:$0x3FFE];
	_ =	sdelay $0x3  }
0x8a: {  	s0 =	sadd.s32 s1, s0  }
0x8b: {  	[smem:$0x3FC5] =	sst s0  }
0x8c: {  	_ = 	snop  }
0x8d: {  	(tm) =	ssettm $0x1  }
0x8e: {  	s15 =	sld [smem:$0x3FFB];
	_ =	sdelay $0x3  }
0x8f: {  	_ =	strace s15  }
0x90: {  	s0 =	sld [smem:$0x3FFC];
	_ =	sdelay $0x3  }
0x91: {  	_ =	strace s0  }
0x92: {  	s0 =	sld [smem:$0x3FFD];
	_ =	sdelay $0x3  }
0x93: {  	_ =	strace s0  }
0x94: {  	_ =	strace $0x8FFFFFFF  }
0x95: {  	s16 =	sld [smem:$0x3FDB];
	_ =	sdelay $0x1  }
0x96: {  	s17 =	simm.s32 $_scs_section_size  }
0x97: {  	s2 =	simm.s32 $_size__tile_overlayer_lowered;
	s3 =	simm.s32 $_tile_overlayer_lowered  }
0x98: {  	s20 =	simm.s32 $0x1BFF;
	s19 =	sshll.u32 s3, $0x1;
	s0 =	sadd.s32 s17, s16  }
0x99: {  	s4 =	simm.s32 $0x0;
	s18 =	sshll.u32 s2, $0x1;
	s2 =	sadd.s32 s19, s0  }
0x9a: {  	[timem:s4], [sflag:s20] =	dma.local [hbm:s2], s18  }
0x9b: {  	_ =	swait.ge [sflag:s20], s18  }
0x9c: {  	s1 =	ssub.s32 $0x0, s18;
	[sflag:s20] =	ssyncset.done $0x0  }
0x9d: {  	[sflag:s20] =	ssyncadd.s32 s1;
	_ =	sdelay $0x1  }
0x9e: {  	s21 =	simm.s32 $0x1B8B  }
0x9f: {  	_ =	swait.ge [sflag:s21], $0x1  }
0xa0: {  	[sflag:s21] =	ssyncset.done $0x0  }
0xa1: {  	s23 =	simm.s32 $0x1B8E;
	s22 =	sld [smem:$0x3FFE];
	[sflag:s21] =	ssyncadd.s32 $0xFFFFFFFF  }
0xa2: {  	s24 =	simm.s32 $execute0_lowered;
	[smem:$0x3FD2] =	sst s23  }
0xa3: {  	s2 =	sshll.u32 s24, $0x1;
	_ =	strace $0x80000046;
	[dreg:$0x1] =	wrdreg $0xFFFFFFFF  }
0xa4: {  	s25 =	simm.s32 $_size_execute0_lowered;
	s0 =	sadd.s32 s0, s2;
	[dreg:$0x0] =	wrdreg $0x0  }
0xa5: {  	s2 =	sshll.u32 s25, $0x1;
	[dreg:$0x2] =	wrdreg s0  }
0xa6: {  	[dreg:$0x3] =	wrdreg s2  }
0xa7: {  	[dreg:$0x4] =	wrdreg $0xC0  }
0xa8: {  	_ =	task [dreg:s4], $0x5FFFF  }
0xa9: {  	[dreg:$0x1] =	wrdreg $0xFFFFFFFF  }
0xaa: {  	[dreg:$0x0] =	wrdreg $0x60  }
0xab: {  	[dreg:$0x2] =	wrdreg s22  }
0xac: {  	[dreg:$0x3] =	wrdreg $0xA  }
0xad: {  	_ =	task.clear_ibuf [dreg:s4], $0x4FFFF;
	_ =	strace $0x90000046  }
0xae: {  	s26 =	simm.s32 $0xA;
	_ =	strace $0x80000048  }
0xaf: {  	_ =	swait.ge [sflag:s26], $0x1  }
0xb0: {  	[sflag:s26] =	ssyncadd.s32 $0xFFFFFFFF  }
0xb1: {  	_ =	strace $0x90000048  }
0xb2: {  	_ =	sfence  }
0xb3: {  	s28 =	sld [smem:$0x0];
	_ =	sdelay $0x1  }
0xb4: {  	s29 =	srdreg.scid  }
0xb5: {  	s30 =	sshll.u32 s29, $0xD;
	s31 =	sshrl.u32 s29, $0x2  }
0xb6: {  	s1 =	sand.u32 $0x1, s29;
	s2 =	sand.u32 $0x4000, s30;
	s0 =	sadd.s32 s31, s28  }
0xb7: {  	s1 =	sor.u32 s2, s1;
	s0 =	sshll.u32 s0, $0x11  }
0xb8: {  	s0 =	sor.u32 s0, s1  }
0xb9: {  	s0 =	sadd.s32 $0x8F2B, s0  }
0xba: {  	[sflag:s0] =	ssyncadd.remote.s32 $0x1  }
0xbb: {  	_ =	sfence.sel $0xFFFF  }
0xbc: {  	[dreg:$0x0] =	wrdreg $0xFFFFFFFF;
	(pc) =	sbr.abs _section_cstart, $3  }
0xbd: {  	[dreg:$0x1] =	wrdreg $0xFFFFFFFF  }
0xbe: {  	_ =	task.clear_ibuf [dreg:s4], $0x2FFFF;
	_ =	strace $0x9FFFFFFF  }
0xbf: {  	(tm) =	ssettm $0x7FFFFFFF  }
tec
execute0_lowered:
.L_overlay_start_1:
0x0: {  	(tag) =	ssettag $0x1  }
0x1: {  	s0 =	rddreg [dreg:$0x0];
	s1 =	stileid.u32  }
0x2: {  	s2 =	rddreg [dreg:$0x1];
	s3 =	simm.s32 $0x0;
	s4 =	sshll.u32 s1, $0x3  }
0x3: {  	[smem:$0x7FF] =	sst s3;
	s4 =	sadd.s32 s4, s0  }
0x4: {  	s30 =	simm.s32 $0x2;
	_ =	strace $0x80000047;
	s5 =	sadd.s32 $0xF600, s4  }
0x5: {  	[tilespmem:s3], [sflag:$0x2] =	stream.linear.gather [hbm4b:s5+s3], $0x40, $0x38;
	[tilespmem:$0x80] =	vst v63  }
0x6: {  	_ =	swait.ge [sflag:s30], $0x40  }
0x7: {  	s6 =	simm.s32 $0x40;
	[sflag:s30] =	ssyncset.done $0x0  }
0x8: {  	s31 =	simm.s32 $0x1;
	s0 =	sadd.s32 $0x7600, s0;
	[sflag:s30] =	ssyncadd.s32 $0xFFFFFFC0  }
0x9: {  	[tilespmem:s6], [sflag:$0x1] =	stream.indirect.gather [hbm4b:s0+s6], $0x1, s3, s6, $0xb8;
	[tilespmem:$0x80] =	vst v63  }
0xa: {  	_ =	swait.ge [sflag:s31], $0x40  }
0xb: {  	[sflag:s31] =	ssyncset.done $0x0  }
0xc: {  	s4 =	sadd.s32 $0xF800, s4;
	[sflag:s31] =	ssyncadd.s32 $0xFFFFFFC0  }
0xd: {  	[hbm4b:s4+s3] =	stream.linear.scatter [tilespmem:s6], [sflag:$0x2], $0x40, $0x38;
	[tilespmem:$0x80] =	vst v63  }
0xe: {  	_ =	swait.ge [sflag:s30], $0x40  }
0xf: {  	[sflag:s30] =	ssyncset.done $0x0  }
0x10: {  	[sflag:s30] =	ssyncadd.s32 $0xFFFFFFC0  }
0x11: {  	_ =	sfence.sel $0x180000  }
0x12: {  	[bflag:$0x0] =	sbarrier.arrive $0xFFFF  }
0x13: {  	p0 =	sne.s32 s1, $0x0;
	_ =	strace $0x90000047  }
0x14: {  	s0 =	sadd.s32 @!p0 $0x100000, s2;
	[bflag:$0x2] =	sbarrier.arrive $0xFFFF  }
0x15: {  	[sflag:s0] =	ssyncadd.tile.s32 @!p0 $0x1;
	_ =	shalt  }
.Lfunc_end2:
_tile_overlayer_lowered:
.L_overlay_start_2:
0x16: {  	(tag) =	ssettag $0x2  }
0x17: {  	s0 =	rddreg [dreg:$0x0];
	s2 =	stileid.u32  }
0x18: {  	s1 =	rddreg [dreg:$0x1];
	p0 =	sne.s32 s2, $0x0  }
0x19: {  	s3 =	rddreg [dreg:$0x2];
	[bflag:$0x3] =	sbarrier.arrive $0xFFFF;
	s2 =	simm.s32 @!p0 $0x1C02  }
0x1a: {  	[timem:s3], [sflag:s2] =	dma.local @!p0 [hbm:s0], s1  }
0x1b: {  	s0 =	simm.s32 @!p0 $0x2  }
0x1c: {  	_ =	swait.ge @!p0 [sflag:s0], s1  }
0x1d: {  	s1 =	ssub.s32 @!p0 $0x0, s1;
	[sflag:s0] =	ssyncset.done @!p0 $0x0  }
0x1e: {  	[sflag:s0] =	ssyncadd.s32 @!p0 s1  }
0x1f: {  	[bflag:$0x3] =	sbarrier.arrive $0xFFFF  }
0x20: {  	_ =	shalt  }

// kernel: sparse-core-data-format-call.cloned.1.call-start
scs
called_computation_lowered:
.L_overlay_start_0:
0x0: {  	s2 =	sld [smem:$0x3FD9]  }
0x1: {  	s3 =	sld [smem:$0x3FFE];
	_ =	sdelay $0x1  }
0x2: {  	s1 =	srdreg.scid  }
0x3: {  	s0 =	sand.u32 $0x1, s1  }
0x4: {  	s16 =	sshll.u32 s0, $0xA;
	s2 =	sadd.s32 s3, s2  }
0x5: {  	s2 =	sadd.s32 s2, s16  }
0x6: {  	[smem:$0x3FC5] =	sst s2  }
0x7: {  	_ = 	snop  }
0x8: {  	s2 =	sld [smem:$0x3FD0];
	_ =	sdelay $0x2  }
0x9: {  	s17 =	simm.s32 $0xB;
	s4 =	simm.s32 $0x10  }
0xa: {  	[smem:s4], [sflag:s17] =	dma.local [hbm:s2], $0x1  }
0xb: {  	_ =	swait.eq [sflag:s17], $0x1  }
0xc: {  	[sflag:s17] =	ssyncset.done $0x0  }
0xd: {  	[sflag:s17] =	ssyncadd.s32 $0xFFFFFFFF  }
0xe: {  	s18 =	sld [smem:$0x10];
	(tm) =	ssettm $0x1  }
0xf: {  	s19 =	sld [smem:$0x3FFB];
	_ =	sdelay $0x3  }
0x10: {  	_ =	strace s19  }
0x11: {  	s2 =	sld [smem:$0x3FFC];
	_ =	sdelay $0x3  }
0x12: {  	_ =	strace s2  }
0x13: {  	s2 =	sld [smem:$0x3FFD];
	_ =	sdelay $0x3  }
0x14: {  	_ =	strace s2  }
0x15: {  	_ =	strace $0x8FFFFFFF  }
0x16: {  	s20 =	sld [smem:$0x3FDB];
	_ =	sdelay $0x1  }
0x17: {  	s21 =	simm.s32 $_scs_section_size  }
0x18: {  	s5 =	simm.s32 $_size__tile_overlayer_lowered;
	s6 =	simm.s32 $_tile_overlayer_lowered  }
0x19: {  	s7 =	simm.s32 $0x1BFF;
	s22 =	sshll.u32 s6, $0x1;
	s4 =	sadd.s32 s21, s20  }
0x1a: {  	s23 =	simm.s32 $0x0;
	s5 =	sshll.u32 s5, $0x1;
	s6 =	sadd.s32 s22, s4  }
0x1b: {  	[timem:s23], [sflag:s7] =	dma.local [hbm:s6], s5  }
0x1c: {  	_ =	swait.ge [sflag:s7], s5  }
0x1d: {  	s5 =	ssub.s32 $0x0, s5;
	[sflag:s7] =	ssyncset.done $0x0  }
0x1e: {  	[sflag:s7] =	ssyncadd.s32 s5;
	_ =	sdelay $0x1  }
0x1f: {  	s24 =	simm.s32 $0x1B8B  }
0x20: {  	_ =	swait.ge [sflag:s24], $0x1  }
0x21: {  	[sflag:s24] =	ssyncset.done $0x0  }
0x22: {  	[sflag:s24] =	ssyncadd.s32 $0xFFFFFFFF  }
0x23: {  	s5 =	sld [smem:$0x0]  }
0x24: {  	s6 =	sand.u32 $0xFFFFFFFE, s1  }
0x25: {  	p0 =	sne.s32 s1, s6  }
0x26: {  	s6 =	sshll.u32 @p0 s6, $0xE  }
0x27: {  	s6 =	sadd.s32 @p0 $0x11B8D, s6;
	s7 =	sshll.u32 @p0 s5, $0x11  }
0x28: {  	s6 =	sor.u32 @p0 s7, s6  }
0x29: {  	[sflag:s6] =	ssyncadd.remote.s32 @p0 $0x1;
	_ =	sdelay $0x1  }
0x2a: {  	s6 =	simm.s32 @p0 $0x1B8D  }
0x2b: {  	_ =	swait.eq @p0 [sflag:s6], $0x1  }
0x2c: {  	[sflag:s6] =	ssyncadd.s32 @p0 $0xFFFFFFFF  }
0x2d: {  	s7 =	sshll.u32 @!p0 s1, $0xE  }
0x2e: {  	s7 =	sor.u32 @!p0 $0x4000, s7;
	s6 =	simm.s32 @!p0 $0x1B8D  }
0x2f: {  	s5 =	sshll.u32 @!p0 s5, $0x11;
	s7 =	sadd.s32 @!p0 $0x11B8D, s7;
	_ =	swait.eq @!p0 [sflag:s6], $0x1  }
0x30: {  	s5 =	sor.u32 @!p0 s5, s7;
	[sflag:s6] =	ssyncadd.s32 @!p0 $0xFFFFFFFF  }
0x31: {  	s26 =	simm.s32 $0x1B8E;
	s25 =	sld [smem:$0x3FFE];
	[sflag:s5] =	ssyncadd.remote.s32 @!p0 $0x1  }
0x32: {  	s27 =	simm.s32 $execute0_lowered;
	[smem:$0x3FD2] =	sst s26  }
0x33: {  	s6 =	sshll.u32 s27, $0x1;
	_ =	strace $0x80000049;
	[dreg:$0x1] =	wrdreg $0xFFFFFFFF  }
0x34: {  	s28 =	simm.s32 $_size_execute0_lowered;
	s4 =	sadd.s32 s4, s6;
	[dreg:$0x0] =	wrdreg $0x0  }
0x35: {  	s6 =	sshll.u32 s28, $0x1;
	[dreg:$0x2] =	wrdreg s4  }
0x36: {  	[dreg:$0x3] =	wrdreg s6  }
0x37: {  	[dreg:$0x4] =	wrdreg $0xC0  }
0x38: {  	_ =	task [dreg:s23], $0x5FFFF  }
0x39: {  	[dreg:$0x1] =	wrdreg $0xFFFFFFFF  }
0x3a: {  	[dreg:$0x0] =	wrdreg $0x60  }
0x3b: {  	[dreg:$0x2] =	wrdreg s25  }
0x3c: {  	[dreg:$0x3] =	wrdreg s18  }
0x3d: {  	[dreg:$0x4] =	wrdreg $0x9  }
0x3e: {  	_ =	task.clear_ibuf [dreg:s23], $0x5FFFF;
	_ =	strace $0x90000049  }
0x3f: {  	s29 =	simm.s32 $0x9;
	_ =	strace $0x8000004B  }
0x40: {  	_ =	swait.ge [sflag:s29], $0x1  }
0x41: {  	[sflag:s29] =	ssyncadd.s32 $0xFFFFFFFF  }
0x42: {  	_ =	strace $0x9000004B  }
0x43: {  	_ =	sfence  }
0x44: {  	s30 =	sld [smem:$0x0];
	_ =	sdelay $0x2  }
0x45: {  	s31 =	sshll.u32 s1, $0xD;
	s1 =	sshrl.u32 s1, $0x2  }
0x46: {  	s4 =	sand.u32 $0x4000, s31;
	s1 =	sadd.s32 s1, s30  }
0x47: {  	s0 =	sor.u32 s4, s0;
	s1 =	sshll.u32 s1, $0x11  }
0x48: {  	s0 =	sor.u32 s1, s0  }
0x49: {  	s0 =	sadd.s32 $0x8F2B, s0  }
0x4a: {  	[sflag:s0] =	ssyncadd.remote.s32 $0x1  }
0x4b: {  	_ =	sfence.sel $0xFFFF  }
0x4c: {  	[dreg:$0x0] =	wrdreg $0xFFFFFFFF;
	(pc) =	sbr.abs _section_cstart, $3  }
0x4d: {  	[dreg:$0x1] =	wrdreg $0xFFFFFFFF  }
0x4e: {  	_ =	task.clear_ibuf [dreg:s23], $0x2FFFF;
	_ =	strace $0x9FFFFFFF  }
0x4f: {  	(tm) =	ssettm $0x7FFFFFFF  }
tec
execute0_lowered:
.L_overlay_start_1:
0x0: {  	(tag) =	ssettag $0x1  }
0x1: {  	s5 =	stileid.u32;
	s0 =	rddreg [dreg:$0x0]  }
0x2: {  	_ =	strace $0x8000004A;
	s29 =	srdreg.scid;
	s31 =	simm.s32 $0x2  }
0x3: {  	s18 =	simm.s32 $0x0;
	s9 =	simm.s32 $0x40000;
	s10 =	simm.s32 $0x0  }
0x4: {  	s20 =	simm.s32 $0x0;
	s19 =	simm.s32 $0x0;
	s1 =	sshll.u32 s5, $0x3  }
0x5: {  	s11 =	simm.s32 $0x0;
	s12 =	simm.s32 $0x0;
	s3 =	sand.u32 $0x18, s1  }
0x6: {  	s13 =	simm.s32 $0x0;
	s15 =	simm.s32 $0x0;
	s1 =	ssub.s32 $0x20, s3  }
0x7: {  	s17 =	simm.s32 $0x0;
	s26 =	simm.s32 $0x0;
	s2 =	sand.u32 $0x18, s1  }
0x8: {  	s4 =	sadd.s32 $0x2D8800, s0;
	s0 =	simm.s32 $0x1;
	p0 =	sne.s32 s2, $0x0  }
.Ltmp0:
0x9: {  	s1 =	sshrl.u32 s1, $0x5;
	s0 =	simm.s32 @!p0 $0x0;
	(pc) =	sbr.rel .LBB1_1-.Ltmp0, $4  }
0xa: {  	s5 =	sshll.u32 s5, $0x6;
	s2 =	sshll.u32 s29, $0xA;
	s0 =	sadd.s32 s0, s1  }
0xb: {  	s30 =	sor.u32 s5, s2;
	s5 =	simm.s32 $0x1;
	s6 =	smul.u32 $0x2C, s0  }
0xc: {  	s16 =	smov.u32 s3;
	s7 =	sand.u32 $0x700, s30;
	[sflag:s5] =	ssyncpa.u1 $0x0  }
0xd: {  	[sflag:s31] =	ssyncpa.u1 $0x0;
	s14 =	smov.u32 s7;
	s8 =	sor.u32 $0x1, s6  }
.LBB1_7:
0xe: {  	p0 =	slt.u32 s17, $0x2  }
0xf: {  	s0 =	smov.u32 s20;
	p1 =	sgt.s32 @!p0 s20, $0x4E  }
0x10: {  	s2 =	smov.u32 s19;
	s1 =	sshra.s32 @!p0 s20, $0x1F;
	p1 =	por !p1, p0  }
0x11: {  	s1 =	sand.u32 @!p0 s1, s20;
	s0 =	simm.s32 @p1 $0x4E;
	p1 =	sgt.s32 @!p0 s19, $0x18  }
0x12: {  	s20 =	sshra.s32 @!p0 s19, $0x1F;
	p1 =	por !p1, p0;
	s0 =	ssub.s32 @!p0 s0, s1  }
0x13: {  	s1 =	sand.u32 @!p0 s20, s19;
	s2 =	simm.s32 @p1 $0x18;
	s19 =	sadd.s32 @!p0 $0xFFFFFFB2, s0  }
0x14: {  	p1 =	sgt.s32 @!p0 s18, $0x1F00;
	s1 =	ssub.s32 @!p0 s2, s1;
	p2 =	sgt.s32 @!p0 s19, $0x7  }
0x15: {  	p1 =	por !p1, p0;
	s19 =	smov.u32 s18;
	s2 =	sadd.s32 @!p0 $0xFFFFFFE8, s1  }
0x16: {  	s19 =	simm.s32 @p1 $0x1F00;
	p1 =	sgt.s32 @!p0 s2, $0x7;
	s2 =	sshra.s32 @!p0 s18, $0x1F  }
0x17: {  	s0 =	ssub.s32 @!p0 $0x56, s0;
	p2 =	por !p2, p0;
	s2 =	sand.u32 @!p0 s2, s18  }
0x18: {  	s1 =	ssub.s32 @!p0 $0x20, s1;
	p1 =	por !p1, p0;
	s2 =	ssub.s32 @!p0 s19, s2  }
0x19: {  	s0 =	simm.s32 @!p2 $0x0;
	s1 =	simm.s32 @!p1 $0x0;
	s18 =	sadd.s32 @!p0 $0xFFFFE100, s2  }
0x1a: {  	s21 =	smov.u32 s15;
	s0 =	smul.u32 @!p0 s1, s0;
	p1 =	sgt.s32 @!p0 s18, $0xFF  }
0x1b: {  	s1 =	ssub.s32 @!p0 $0x2000, s2;
	s2 =	sadd.s32 $0x800, s14;
	p1 =	por !p1, p0  }
0x1c: {  	s18 =	sadd.s32 $0x8, s15;
	s1 =	simm.s32 @!p1 $0x0;
	p1 =	sgt.s32 s2, $0x1FAF  }
0x1d: {  	s22 =	smov.u32 s16;
	s21 =	smov.u32 @p1 s18  }
0x1e: {  	s0 =	smul.u32 @!p0 s1, s0;
	s1 =	sadd.s32 $0x20, s16;
	p2 =	sgt.s32 s21, $0x55  }
0x1f: {  	s10 =	sadd.s32 $0x4000, s10;
	s20 =	smov.u32 s12;
	s22 =	smov.u32 @p2 s1  }
0x20: {  	s12 =	smov.u32 s15;
	s2 =	smov.u32 @p1 s7;
	p1 =	sgt.s32 s22, $0x1F  }
0x21: {  	s19 =	smov.u32 s13;
	s22 =	smov.u32 @p1 s3;
	p1 =	sne.s32 s17, s8  }
.Ltmp1:
0x22: {  	s13 =	smov.u32 s16;
	s18 =	smov.u32 s11;
	(pc) =	sbr.rel @!p1 .LBB1_8-.Ltmp1, $4  }
0x23: {  	s11 =	smov.u32 s14;
	s0 =	sand.u32 @!p0 $0x3FFFFFFF, s0;
	s1 =	simm.s32 @!p0 $0x2  }
0x24: {  	s14 =	smov.u32 s2;
	s21 =	simm.s32 @p2 $0x0;
	_ =	swait.ge @!p0 [sflag:s1], s0  }
0x25: {  	s0 =	ssub.s32 @!p0 $0x0, s0;
	s15 =	smov.u32 s21;
	[sflag:s1] =	ssyncset.done @!p0 $0x0  }
0x26: {  	s17 =	sadd.s32 $0x1, s17;
	[sflag:s1] =	ssyncadd.s32 @!p0 s0;
	s16 =	smov.u32 s22  }
.LBB1_1:
0x27: {  	p0 =	sge.u32 s17, s6  }
0x28: {  	s0 =	sshll.u32 @!p0 s15, $0xD  }
0x29: {  	s1 =	sshll.u32 @!p0 s14, $0x3;
	s0 =	sand.u32 @!p0 $0xFFFF0000, s0  }
0x2a: {  	s0 =	sadd.s32 @!p0 s0, s1  }
0x2b: {  	s31 =	sadd.s32 $0xFFFFFFFF, s17;
	s22 =	sshll.u32 @!p0 s15, $0x7;
	s0 =	sshrl.u32 @!p0 s0, $0xD  }
0x2c: {  	s23 =	sand.u32 @!p0 $0x78, s14;
	s22 =	sand.u32 @!p0 $0x380, s22;
	s21 =	smulhi.u32 @!p0 $0x2E8BA2F, s0  }
0x2d: {  	s2 =	sxor.u32 @!p0 $0xFFFFFFFF, s17;
	s22 =	sor.u32 @!p0 s22, s23;
	s23 =	smul.u32 @!p0 $0x16000, s16  }
0x2e: {  	s2 =	sshll.u32 @!p0 s2, $0xE;
	s1 =	sand.u32 @!p0 $0x1C00, s1;
	s21 =	smul.u32 @!p0 $0x58, s21  }
0x2f: {  	s2 =	sand.u32 @!p0 $0x4000, s2;
	s1 =	sor.u32 @!p0 s1, s22;
	s22 =	sand.u32 @!p0 $0x7, s14  }
0x30: {  	s1 =	sshrl.u32 @!p0 s1, $0x3;
	s0 =	ssub.s32 @!p0 s0, s21;
	s21 =	sadd.s32 @!p0 s4, s23  }
0x31: {  	s0 =	sshll.u32 @!p0 s0, $0xA;
	s1 =	sadd.s32 @!p0 s1, s21;
	s21 =	sshll.u32 @!p0 s22, $0x12  }
0x32: {  	s0 =	sadd.s32 @!p0 s0, s1;
	s1 =	sor.u32 @!p0 $0x800, s21;
	s21 =	simm.s32 @!p0 $0xB0000  }
0x33: {  	[tilespmem:s2], [sflag:$0x1] =	stream.strided.gather @!p0 [hbm4b:s0+s1], $0x4000, s21, s1, $0x38;
	[tilespmem:$0x10000] =	vst v63  }
0x34: {  	p0 =	sge.u32 s31, s6  }
.Ltmp2:
0x35: {  	_ = 	snop;
	(pc) =	sbr.rel @p0 .LBB1_7-.Ltmp2, $1  }
0x36: {  	_ =	sdelay $0x3  }
0x37: {  	s0 =	sshll.u32 s10, $0x2;
	_ =	swait.ge [sflag:s5], $0x4000;
	s1 =	sshll.u32 s17, $0xE  }
0x38: {  	p0 =	por $0x0, $0x0;
	s27 =	simm.s32 $0x0;
	s28 =	simm.s32 $0x0  }
0x39: {  	s0 =	sand.u32 $0x10000, s0;
	[sflag:s5] =	ssyncset.done $0x0;
	s24 =	sand.u32 $0x4000, s1  }
0x3a: {  	s0 =	sshrl.u32 s0, $0x2;
	[sflag:s5] =	ssyncadd.s32 $0xFFFFC000;
	s21 =	sor.u32 $0x8000, s24  }
0x3b: {  	s22 =	sor.u32 $0x40, s0;
	s23 =	sor.u32 $0x8410, s0;
	s25 =	sadd.s32 $0x8400, s0  }
.LBB1_3:
0x3c: {  	v1 =	vld [tilespmem:s22+$0xFFFFFFD0]  }
0x3d: {  	v2 =	vld [tilespmem:s22+$0x430]  }
0x3e: {  	s0 =	sshll.u32 s28, $0xB;
	v4 =	vld [tilespmem:s22+$0xFFFFFFE0]  }
0x3f: {  	v7 =	vld [tilespmem:s22+$0xFFFFFFF0];
	v0 =	vmov s0  }
0x40: {  	v8 =	vld [tilespmem:s22+$0x0]  }
0x41: {  	s2 =	sand.u32 $0x300, s26;
	v9 =	vld [tilespmem:s22+$0x10]  }
0x42: {  	s1 =	sand.u32 $0x80, s26;
	v10 =	vld [tilespmem:s22+$0x20];
	s0 =	sadd.s32 s2, s24  }
0x43: {  	v11 =	vld [tilespmem:s22+$0x30];
	s0 =	sadd.s32 s1, s0;
	s1 =	simm.s32 $0x1;
	[tilespmem:s23+$0x60] =	vst v2  }
0x44: {  	s2 =	sshll.u32 s27, $0x2;
	s1 =	simm.s32 @!p0 $0x0;
	[tilespmem:s23+$0xFFFFFC00] =	vst v1;
	v3 =	vld.idx.msk [tilespmem:v0+s0+$0x400 ss:$0x1], $0xffff  }
0x45: {  	v6 =	vld [tilespmem:s22+$0x3D0];
	s1 =	sshll.u32 s1, $0x9;
	[tilespmem:s23+$0xFFFFFC10] =	vst v4;
	s0 =	sand.u32 $0xFFFFFC00, s2  }
0x46: {  	v5 =	vld [tilespmem:s22+$0x3E0];
	[tilespmem:s23+$0xFFFFFC20] =	vst v7;
	s0 =	sor.u32 s1, s0  }
0x47: {  	[tilespmem:s23+$0xFFFFFC30] =	vst v8;
	v4 =	vld [tilespmem:s22+$0x400];
	s0 =	sshrl.u32 s0, $0x2  }
0x48: {  	[tilespmem:s23+$0xFFFFFC40] =	vst v9;
	v1 =	vld [tilespmem:s22+$0x410];
	s29 =	sadd.s32 s0, s25  }
0x49: {  	[tilespmem:s29+$0x0] =	vst v3;
	v3 =	vld [tilespmem:s22+$0x3F0]  }
0x4a: {  	s30 =	sadd.s32 $0x80, s22;
	[tilespmem:s23+$0xFFFFFC50] =	vst v10;
	v2 =	vld [tilespmem:s22+$0x420];
	s0 =	simm.s32 $0x80  }
0x4b: {  	s31 =	smov.u32 s23;
	v7 =	vld [tilespmem:s22+$0xFFFFFFC0];
	[tilespmem:s23+$0xFFFFFC60] =	vst v11;
	s1 =	simm.s32 $0x100;
	s2 =	sand.u32 $0x300, s0  }
.LBB1_4:
0x4c: {  	p1 =	sne.s32 s1, $0x380;
	v8 =	vld [tilespmem:s30+$0xFFFFFFD0];
	s0 =	sand.u32 $0x80, s0;
	s2 =	sadd.s32 s2, s24;
	[tilespmem:s31+$0x0] =	vst v6  }
0x4d: {  	s2 =	sadd.s32 s0, s2;
	v6 =	vld [tilespmem:s30+$0x430];
	[tilespmem:s31+$0x10] =	vst v5;
	s0 =	smov.u32 s1  }
0x4e: {  	v5 =	vld.idx.msk [tilespmem:v0+s2+$0x400 ss:$0x1], $0xffff;
	[tilespmem:s31+$0x20] =	vst v3  }
0x4f: {  	v3 =	vld [tilespmem:s30+$0xFFFFFFE0];
	[tilespmem:s31+$0x30] =	vst v4  }
0x50: {  	v4 =	vld [tilespmem:s30+$0xFFFFFFF0];
	[tilespmem:s31+$0xFFFFFBF0] =	vst v7  }
0x51: {  	v7 =	vld [tilespmem:s30+$0x0];
	[tilespmem:s31+$0x40] =	vst v1  }
0x52: {  	v1 =	vld [tilespmem:s30+$0x10];
	[tilespmem:s31+$0x50] =	vst v2;
	s31 =	sadd.s32 $0x800, s31  }
0x53: {  	s29 =	sadd.s32 $0x800, s29;
	v2 =	vld [tilespmem:s30+$0x20];
	[tilespmem:s31+$0x60] =	vst v6  }
0x54: {  	v9 =	vld [tilespmem:s30+$0x30];
	[tilespmem:s29+$0x0] =	vst v5  }
0x55: {  	[tilespmem:s31+$0xFFFFFC00] =	vst v8;
	v6 =	vld [tilespmem:s30+$0x3D0]  }
0x56: {  	[tilespmem:s31+$0xFFFFFC10] =	vst v3;
	v5 =	vld [tilespmem:s30+$0x3E0]  }
.Ltmp3:
0x57: {  	[tilespmem:s31+$0xFFFFFC20] =	vst v4;
	v3 =	vld [tilespmem:s30+$0x3F0];
	(pc) =	sbr.rel @p1 .LBB1_4-.Ltmp3, $4  }
0x58: {  	[tilespmem:s31+$0xFFFFFC30] =	vst v7;
	v4 =	vld [tilespmem:s30+$0x400]  }
0x59: {  	[tilespmem:s31+$0xFFFFFC40] =	vst v1;
	v1 =	vld [tilespmem:s30+$0x410]  }
0x5a: {  	[tilespmem:s31+$0xFFFFFC50] =	vst v2;
	v2 =	vld [tilespmem:s30+$0x420]  }
0x5b: {  	s1 =	sadd.s32 $0x80, s1;
	s2 =	sand.u32 $0x300, s0;
	v7 =	vld [tilespmem:s30+$0xFFFFFFC0];
	[tilespmem:s31+$0xFFFFFC60] =	vst v9;
	s30 =	sadd.s32 $0x80, s30  }
0x5c: {  	[tilespmem:s31+$0x0] =	vst v6  }
0x5d: {  	[tilespmem:s31+$0x10] =	vst v5  }
0x5e: {  	v49 =	vld [tilespmem:s30+$0x430];
	[tilespmem:s31+$0x20] =	vst v3  }
0x5f: {  	v50 =	vld [tilespmem:s30+$0xFFFFFFD0];
	[tilespmem:s31+$0x30] =	vst v4  }
0x60: {  	v51 =	vld [tilespmem:s30+$0xFFFFFFE0];
	[tilespmem:s31+$0x40] =	vst v1  }
0x61: {  	v52 =	vld [tilespmem:s30+$0xFFFFFFF0];
	[tilespmem:s31+$0x50] =	vst v2  }
0x62: {  	s1 =	sadd.s32 s2, s24;
	s2 =	sadd.s32 $0x800, s31;
	v53 =	vld [tilespmem:s30+$0x0];
	[tilespmem:s31+$0xFFFFFBF0] =	vst v7  }
0x63: {  	v54 =	vld [tilespmem:s30+$0x10];
	[tilespmem:s2+$0x60] =	vst v49  }
0x64: {  	v55 =	vld [tilespmem:s30+$0x20];
	[tilespmem:s2+$0xFFFFFC00] =	vst v50  }
0x65: {  	v56 =	vld [tilespmem:s30+$0x30];
	[tilespmem:s2+$0xFFFFFC10] =	vst v51  }
0x66: {  	v57 =	vld [tilespmem:s30+$0x3D0];
	[tilespmem:s2+$0xFFFFFC20] =	vst v52  }
0x67: {  	v58 =	vld [tilespmem:s30+$0x3E0];
	[tilespmem:s2+$0xFFFFFC30] =	vst v53  }
0x68: {  	v59 =	vld [tilespmem:s30+$0x3F0];
	[tilespmem:s2+$0xFFFFFC40] =	vst v54  }
0x69: {  	v60 =	vld [tilespmem:s30+$0x400];
	[tilespmem:s2+$0xFFFFFC50] =	vst v55  }
0x6a: {  	v61 =	vld [tilespmem:s30+$0xFFFFFFC0];
	[tilespmem:s2+$0xFFFFFC60] =	vst v56  }
0x6b: {  	s0 =	sand.u32 $0x80, s0;
	v62 =	vld [tilespmem:s30+$0x410];
	[tilespmem:s2+$0x0] =	vst v57  }
0x6c: {  	v63 =	vld [tilespmem:s30+$0x420];
	s28 =	sadd.s32 $0x1, s28;
	s0 =	sadd.s32 s0, s1;
	[tilespmem:s2+$0x10] =	vst v58  }
0x6d: {  	p1 =	sne.s32 s28, $0x8;
	v0 =	vld.idx.msk [tilespmem:v0+s0+$0x400 ss:$0x1], $0xffff;
	[tilespmem:s2+$0x20] =	vst v59  }
.Ltmp4:
0x6e: {  	[tilespmem:s2+$0x30] =	vst v60;
	(pc) =	sbr.rel @p1 .LBB1_3-.Ltmp4, $4  }
0x6f: {  	[tilespmem:s2+$0xFFFFFBF0] =	vst v61  }
0x70: {  	[tilespmem:s2+$0x40] =	vst v62  }
0x71: {  	s22 =	sadd.s32 $0x800, s22;
	s31 =	sadd.s32 $0x800, s29;
	[tilespmem:s2+$0x50] =	vst v63  }
0x72: {  	s27 =	sadd.s32 $0x80, s27;
	p0 =	por !p0, !p0;
	s23 =	sadd.s32 $0x80, s23;
	[tilespmem:s31+$0x0] =	vst v0  }
0x73: {  	s0 =	sand.u32 $0x78, s11  }
0x74: {  	s1 =	sshll.u32 s13, $0x7;
	p0 =	sgt.s32 s12, $0x4E;
	s2 =	smov.u32 s12  }
0x75: {  	s22 =	sshra.s32 s12, $0x1F;
	s27 =	sshra.s32 s13, $0x1F;
	s28 =	sshra.s32 s11, $0x1F  }
0x76: {  	s24 =	sshll.u32 s13, $0xD;
	s29 =	sshll.u32 s11, $0x3;
	s1 =	sand.u32 $0x380, s1  }
0x77: {  	s2 =	simm.s32 @!p0 $0x4E;
	s25 =	sand.u32 s22, s12;
	p0 =	sgt.s32 s13, $0x18  }
0x78: {  	s22 =	sand.u32 s27, s13;
	s24 =	sand.u32 $0x30000, s24;
	s31 =	sand.u32 $0x1C00, s29  }
0x79: {  	s0 =	sor.u32 s1, s0;
	s1 =	ssub.s32 s2, s25;
	s2 =	smov.u32 s13  }
0x7a: {  	s25 =	sshll.u32 s12, $0xF;
	s23 =	sadd.s32 $0xFFFFFFB2, s1;
	s2 =	simm.s32 @!p0 $0x18  }
0x7b: {  	s1 =	ssub.s32 $0x56, s1;
	s0 =	sor.u32 s31, s0;
	p0 =	sgt.s32 s23, $0x7  }
0x7c: {  	s2 =	ssub.s32 s2, s22;
	s23 =	smov.u32 s11;
	s1 =	simm.s32 @p0 $0x0  }
0x7d: {  	s22 =	sadd.s32 $0xFFFFFFE8, s2;
	p0 =	sgt.s32 s11, $0x1F00;
	s2 =	ssub.s32 $0x20, s2  }
0x7e: {  	s23 =	simm.s32 @!p0 $0x1F00;
	p0 =	sgt.s32 s22, $0x7;
	s22 =	sand.u32 s28, s11  }
0x7f: {  	s28 =	rddreg [dreg:$0x1];
	s2 =	simm.s32 @p0 $0x0;
	s22 =	ssub.s32 s23, s22  }
0x80: {  	s23 =	sadd.s32 s24, s29;
	s29 =	sand.u32 $0x7, s11;
	s30 =	sadd.s32 $0xFFFFE100, s22  }
0x81: {  	s1 =	smul.u32 s2, s1;
	s22 =	ssub.s32 $0x2000, s22;
	p0 =	sgt.s32 s30, $0xFF  }
.Ltmp5:
0x82: {  	s27 =	sshrl.u32 s23, $0x3;
	s22 =	simm.s32 @p0 $0x0;
	(pc) =	sbr.rel .LBB1_7-.Ltmp5, $4  }
0x83: {  	s2 =	sadd.s32 s28, s25;
	s1 =	smul.u32 s22, s1;
	s22 =	sand.u32 $0x7C00, s27  }
0x84: {  	s0 =	sshrl.u32 s0, $0x3;
	s30 =	sshll.u32 s29, $0x12;
	s2 =	sadd.s32 s22, s2  }
0x85: {  	s31 =	sor.u32 $0x800, s30;
	s1 =	sand.u32 $0x3FFFFFFF, s1;
	s0 =	sadd.s32 s0, s2  }
0x86: {  	[hbm4b:s0+s31] =	stream.strided.scatter [tilespmem:s21], [sflag:$0x2], s1, s9, s31, $0x38;
	[tilespmem:$0x10000] =	vst v63  }
.LBB1_8:
0x87: {  	_ =	sfence.sel $0x180000  }
0x88: {  	s0 =	simm.s32 $0x1;
	[bflag:$0x0] =	sbarrier.arrive $0xFFFF  }
0x89: {  	s30 =	simm.s32 $0x2;
	[sflag:s0] =	ssyncpa.u1 $0x1  }
0x8a: {  	[sflag:s30] =	ssyncpa.u1 $0x1  }
0x8b: {  	_ =	strace $0x9000004A  }
0x8c: {  	s31 =	stileid.u32;
	[bflag:$0x2] =	sbarrier.arrive $0xFFFF  }
0x8d: {  	p0 =	sne.s32 s31, $0x0;
	s0 =	rddreg [dreg:$0x2]  }
0x8e: {  	s0 =	sadd.s32 @!p0 $0x100000, s0  }
0x8f: {  	[sflag:s0] =	ssyncadd.tile.s32 @!p0 $0x1;
	_ =	shalt  }
.Lfunc_end1:
_tile_overlayer_lowered:
.L_overlay_start_2:
0x90: {  	(tag) =	ssettag $0x2  }
0x91: {  	s0 =	rddreg [dreg:$0x0];
	s2 =	stileid.u32  }
0x92: {  	s1 =	rddreg [dreg:$0x1];
	p0 =	sne.s32 s2, $0x0  }
0x93: {  	s3 =	rddreg [dreg:$0x2];
	[bflag:$0x3] =	sbarrier.arrive $0xFFFF;
	s2 =	simm.s32 @!p0 $0x1C01  }
0x94: {  	[timem:s3], [sflag:s2] =	dma.local @!p0 [hbm:s0], s1  }
0x95: {  	s0 =	simm.s32 @!p0 $0x1  }
0x96: {  	_ =	swait.ge @!p0 [sflag:s0], s1  }
0x97: {  	s1 =	ssub.s32 @!p0 $0x0, s1;
	[sflag:s0] =	ssyncset.done @!p0 $0x0  }
0x98: {  	[sflag:s0] =	ssyncadd.s32 @!p0 s1  }
0x99: {  	[bflag:$0x3] =	sbarrier.arrive $0xFFFF  }
0x9a: {  	_ =	shalt  }

</sc_bundles>
